<compile_context>
chip_gen: v7x
topology: tpu7x:2x2x1
jax: 0.10.2.dev20260603
libtpu: 0.0.44.dev20260713+nightly
codegen_flags: <defaults>
</compile_context>

<pallas_src>
import functools

import jax
import jax.numpy as jnp
from jax import lax
from jax.experimental import pallas as pl
from jax.experimental.pallas import tpu as pltpu
from jax.experimental.pallas import tpu_sc as plsc

DIM = 256
N_EMBED = 8192
N_TOKENS = 16 * 1024


NB = 256
MC = 512
N_GRID = N_TOKENS // NB
N_CHUNK = N_EMBED // MC


def _argmin_body(x_ref, e_ref, ind_ref, best_ref, besti_ref):
    j = pl.program_id(1)
    x = x_ref[...]
    e = e_ref[...]
    e2h = 0.5 * jnp.sum(e * e, axis=0, keepdims=True)
    mm = jnp.dot(x, e, preferred_element_type=jnp.float32)
    score = mm - e2h
    cmax = jnp.max(score, axis=1, keepdims=True)
    col = lax.broadcasted_iota(jnp.int32, (NB, MC), 1)
    cidx = jnp.min(jnp.where(score == cmax, col, N_EMBED), axis=1,
                   keepdims=True) + j * MC

    @pl.when(j == 0)
    def _():
        best_ref[...] = jnp.full((NB, 1), -jnp.inf, jnp.float32)
        besti_ref[...] = jnp.zeros((NB, 1), jnp.int32)

    upd = cmax > best_ref[...]
    best_ref[...] = jnp.where(upd, cmax, best_ref[...])
    besti_ref[...] = jnp.where(upd, cidx, besti_ref[...])

    @pl.when(j == N_CHUNK - 1)
    def _():
        ind_ref[...] = besti_ref[...]


def _argmin_call(flat, embed):
    return pl.pallas_call(
        _argmin_body,
        grid=(N_GRID, N_CHUNK),
        in_specs=[
            pl.BlockSpec((NB, DIM), lambda i, j: (i, 0)),
            pl.BlockSpec((DIM, MC), lambda i, j: (0, j)),
        ],
        out_specs=pl.BlockSpec((NB, 1), lambda i, j: (i, 0)),
        out_shape=jax.ShapeDtypeStruct((N_TOKENS, 1), jnp.int32),
        scratch_shapes=[
            pltpu.VMEM((NB, 1), jnp.float32),
            pltpu.VMEM((NB, 1), jnp.int32),
        ],
        compiler_params=pltpu.CompilerParams(
            dimension_semantics=("parallel", "arbitrary")),
    )(flat, embed)



SC_NC = 2
SC_NS = 16
NW = SC_NC * SC_NS
B_PER_W = N_TOKENS // NW
QC = 128
NCH = B_PER_W // QC


def _gather_call(table, idx):
    mesh = plsc.VectorSubcoreMesh(core_axis_name="c", subcore_axis_name="s")

    @functools.partial(
        pl.kernel, mesh=mesh,
        out_type=jax.ShapeDtypeStruct((N_TOKENS, DIM), jnp.float32),
        scratch_types=[
            pltpu.VMEM((B_PER_W,), jnp.int32),
            pltpu.VMEM((QC, DIM), jnp.float32),
            pltpu.VMEM((QC, DIM), jnp.float32),
            pltpu.SemaphoreType.DMA,
            pltpu.SemaphoreType.DMA,
        ],
    )
    def k(table_hbm, idx_hbm, out_hbm, idx_v, buf0, buf1, sem0, sem1):
        wid = lax.axis_index("s") * SC_NC + lax.axis_index("c")
        base = wid * B_PER_W
        pltpu.sync_copy(idx_hbm.at[pl.ds(base, B_PER_W)], idx_v)
        bufs, sems = (buf0, buf1), (sem0, sem1)
        cps = [pltpu.async_copy(table_hbm.at[idx_v.at[pl.ds(0, QC)]],
                                buf0, sem0), None]
        for c in range(NCH):
            if c + 1 < NCH:
                cps[(c + 1) % 2] = pltpu.async_copy(
                    table_hbm.at[idx_v.at[pl.ds((c + 1) * QC, QC)]],
                    bufs[(c + 1) % 2], sems[(c + 1) % 2])
            cps[c % 2].wait()
            pltpu.sync_copy(bufs[c % 2], out_hbm.at[pl.ds(base + c * QC, QC)])

    return k(table, idx)



K3_NB = 1024
K3_GRID = N_TOKENS // K3_NB


def _st_body(x_ref, q_ref, st_ref, acc_ref):
    i = pl.program_id(0)
    x = x_ref[...]
    q = q_ref[...]
    d = q - x
    st_ref[...] = x + d

    @pl.when(i == 0)
    def _():
        acc_ref[0, 0] = 0.0

    acc_ref[0, 0] += jnp.sum(d * d)

    @pl.when(i == K3_GRID - 1)
    def _():
        acc_ref[0, 0] = acc_ref[0, 0] * (1.0 / (N_TOKENS * DIM))


def _st_call(flat, q):
    return pl.pallas_call(
        _st_body,
        grid=(K3_GRID,),
        in_specs=[
            pl.BlockSpec((K3_NB, DIM), lambda i: (i, 0)),
            pl.BlockSpec((K3_NB, DIM), lambda i: (i, 0)),
        ],
        out_specs=[
            pl.BlockSpec((K3_NB, DIM), lambda i: (i, 0)),
            pl.BlockSpec(memory_space=pltpu.SMEM),
        ],
        out_shape=[
            jax.ShapeDtypeStruct((N_TOKENS, DIM), jnp.float32),
            jax.ShapeDtypeStruct((1, 1), jnp.float32),
        ],
        compiler_params=pltpu.CompilerParams(
            dimension_semantics=("arbitrary",)),
    )(flat, q)



def kernel(input, embed):
    flat = input.reshape(-1, DIM)
    ind2d = _argmin_call(flat, embed)
    table = jnp.asarray(embed.T)
    q = _gather_call(table, ind2d[:, 0])
    st, diffsum = _st_call(flat, q)
    quantize = st.reshape(input.shape)
    diff = diffsum.reshape(())
    embed_ind = ind2d[:, 0].reshape(input.shape[:-1])
    return (quantize, diff, embed_ind)

# --- scband reference (transcript-rebuilt; emitter-appended) ---
"""Pipeline reference for scband-quantize-81449759801514 (READ-ONLY COPY).

The authoritative reference and input builder live on the scoring server;
editing this copy changes nothing except your own understanding.
"""

import jax, jax.numpy as jnp
import numpy as np

DIM = 256
N_EMBED = 8192

def setup_inputs(seed: int = 0) -> dict:
    key = jax.random.key(seed)
    k_in, k_embed = jax.random.split(key)
    inp = jax.random.normal(k_in, (16, 1024, DIM), dtype=jnp.float32)
    # kmeans_init=False -> embed initialized with randn(dim, n_embed); initted=True, so
    # init_embed_ is a no-op and eval-mode forward uses this codebook directly.
    embed = jax.random.normal(k_embed, (DIM, N_EMBED), dtype=jnp.float32)
    return {"input": inp, "embed": embed}

def reference(input, embed):
    dim = embed.shape[0]
    flatten = input.reshape(-1, dim)
    # dist = ||x||^2 - 2 x E + ||e||^2, shape [N, n_embed]
    dist = (flatten ** 2).sum(axis=1, keepdims=True) \
         - 2.0 * (flatten @ embed) \
         + (embed ** 2).sum(axis=0, keepdims=True)
    embed_ind = jnp.argmax(-dist, axis=1)
    embed_ind = embed_ind.reshape(input.shape[:-1])
    # embed_code: F.embedding(embed_id, embed.T) -> gather rows of codebook
    quantize = jnp.take(embed.T, embed_ind, axis=0)
    diff = jnp.mean((jax.lax.stop_gradient(quantize) - input) ** 2)
    # straight-through estimator
    quantize = input + jax.lax.stop_gradient(quantize - input)
    return (quantize, diff, embed_ind)

if __name__ == "__main__":
    import jax
    _d = setup_inputs()
    print(jax.jit(kernel)(*tuple(_d.values())))

</pallas_src>

<mosaic_0001>
#map = affine_map<(d0, d1) -> (0, 0)>
#map1 = affine_map<(d0, d1) -> (0)>
module attributes {stable_mosaic.version = 14 : i64} {
  func.func @k(%arg0: i32, %arg1: i32, %arg2: memref<8192x256xf32, #tpu.memory_space<hbm>>, %arg3: memref<16384xi32, #tpu.memory_space<hbm>>, %arg4: memref<16384x256xf32, #tpu.memory_space<hbm>>, %arg5: memref<512xi32, #tpu.memory_space<vmem>>, %arg6: memref<128x256xf32, #tpu.memory_space<vmem>>, %arg7: memref<128x256xf32, #tpu.memory_space<vmem>>, %arg8: memref<!tpu.dma_semaphore, #tpu.memory_space<semaphore_mem>>, %arg9: memref<!tpu.dma_semaphore, #tpu.memory_space<semaphore_mem>>) attributes {dimension_semantics = [#tpu.dimension_semantics<core_parallel>, #tpu.dimension_semantics<subcore_parallel>], iteration_bounds = array<i64: 2, 16>, scalar_prefetch = 0 : i64, scratch_operands = 5 : i64, tpu.core_type = #tpu.core_type<sc_vector_subcore>, window_params = [{transform_indices = #map}, {transform_indices = #map1}, {transform_indices = #map}]} {
    %mul3A = arith.constant 2 : i32
    %mul3A_0 = arith.muli %arg1, %mul3A : i32
    %add3A = arith.addi %mul3A_0, %arg0 : i32
    %mul3A_1 = arith.constant 512 : i32
    %mul3A_2 = arith.muli %add3A, %mul3A_1 : i32
    "tpu.region"() ({
      %run_scoped3A = tpu.sem_alloc : memref<!tpu.dma_semaphore, #tpu.memory_space<semaphore_mem>>
      %dma_start3A_49 = tpu.memref_slice %arg3[%mul3A_2] : memref<16384xi32, #tpu.memory_space<hbm>> -> memref<512xi32, #tpu.memory_space<hbm>>
      %dma_start3A_50 = tpu.memref_slice %arg3[%mul3A_2] : memref<16384xi32, #tpu.memory_space<hbm>> -> memref<512xi32, #tpu.memory_space<hbm>>
      tpu.enqueue_dma source(%dma_start3A_50 : memref<512xi32, #tpu.memory_space<hbm>>) target(%arg5 : memref<512xi32, #tpu.memory_space<vmem>>) target_semaphore(%run_scoped3A : memref<!tpu.dma_semaphore, #tpu.memory_space<semaphore_mem>>)
      %dma_wait3A_51 = tpu.memref_slice %arg3[%mul3A_2] : memref<16384xi32, #tpu.memory_space<hbm>> -> memref<512xi32, #tpu.memory_space<hbm>>
      %dma_wait3A_52 = tpu.memref_slice %arg3[%mul3A_2] : memref<16384xi32, #tpu.memory_space<hbm>> -> memref<512xi32, #tpu.memory_space<hbm>>
      tpu.wait_dma2 semaphore(%run_scoped3A : memref<!tpu.dma_semaphore, #tpu.memory_space<semaphore_mem>>) src(%dma_wait3A_52 : memref<512xi32, #tpu.memory_space<hbm>>) dst(%arg5 : memref<512xi32, #tpu.memory_space<vmem>>)
      tpu.yield
    }) : () -> ()
    %dma_start3A = arith.constant 0 : i32
    %dma_start3A_3 = tpu.memref_slice %arg5[%dma_start3A] : memref<512xi32, #tpu.memory_space<vmem>> -> memref<128xi32, #tpu.memory_space<vmem>>
    %dma_start3A_4 = arith.constant 0 : i32
    %dma_start3A_5 = arith.constant 0 : i32
    %dma_start3A_6 = tpu.memref_slice %arg2[%dma_start3A_4, %dma_start3A_5] : memref<8192x256xf32, #tpu.memory_space<hbm>> -> memref<8192x256xf32, #tpu.memory_space<hbm>>
    tpu.enqueue_indirect_dma source(%dma_start3A_6 : memref<8192x256xf32, #tpu.memory_space<hbm>>) target(%arg6 : memref<128x256xf32, #tpu.memory_space<vmem>>) offsets(%dma_start3A_3 : memref<128xi32, #tpu.memory_space<vmem>>) semaphore(%arg8 : memref<!tpu.dma_semaphore, #tpu.memory_space<semaphore_mem>>)
    %dma_start3A_7 = arith.constant 128 : i32
    %dma_start3A_8 = tpu.memref_slice %arg5[%dma_start3A_7] : memref<512xi32, #tpu.memory_space<vmem>> -> memref<128xi32, #tpu.memory_space<vmem>>
    %dma_start3A_9 = arith.constant 0 : i32
    %dma_start3A_10 = arith.constant 0 : i32
    %dma_start3A_11 = tpu.memref_slice %arg2[%dma_start3A_9, %dma_start3A_10] : memref<8192x256xf32, #tpu.memory_space<hbm>> -> memref<8192x256xf32, #tpu.memory_space<hbm>>
    tpu.enqueue_indirect_dma source(%dma_start3A_11 : memref<8192x256xf32, #tpu.memory_space<hbm>>) target(%arg7 : memref<128x256xf32, #tpu.memory_space<vmem>>) offsets(%dma_start3A_8 : memref<128xi32, #tpu.memory_space<vmem>>) semaphore(%arg9 : memref<!tpu.dma_semaphore, #tpu.memory_space<semaphore_mem>>)
    %dma_wait3A = arith.constant 0 : i32
    %dma_wait3A_12 = tpu.memref_slice %arg5[%dma_wait3A] : memref<512xi32, #tpu.memory_space<vmem>> -> memref<128xi32, #tpu.memory_space<vmem>>
    %dma_wait3A_13 = arith.constant 0 : i32
    %dma_wait3A_14 = arith.constant 0 : i32
    %dma_wait3A_15 = tpu.memref_slice %arg2[%dma_wait3A_13, %dma_wait3A_14] : memref<8192x256xf32, #tpu.memory_space<hbm>> -> memref<8192x256xf32, #tpu.memory_space<hbm>>
    tpu.wait_indirect_dma semaphore(%arg8 : memref<!tpu.dma_semaphore, #tpu.memory_space<semaphore_mem>>) src(%dma_wait3A_15 : memref<8192x256xf32, #tpu.memory_space<hbm>>) dst(%arg6 : memref<128x256xf32, #tpu.memory_space<vmem>>)
    %add3A_16 = arith.constant 0 : i32
    %add3A_17 = arith.addi %mul3A_2, %add3A_16 : i32
    "tpu.region"() ({
      %run_scoped3A = tpu.sem_alloc : memref<!tpu.dma_semaphore, #tpu.memory_space<semaphore_mem>>
      %dma_start3A_49 = arith.constant 0 : i32
      %dma_start3A_50 = tpu.memref_slice %arg4[%add3A_17, %dma_start3A_49] : memref<16384x256xf32, #tpu.memory_space<hbm>> -> memref<128x256xf32, #tpu.memory_space<hbm>>
      %dma_start3A_51 = arith.constant 0 : i32
      %dma_start3A_52 = tpu.memref_slice %arg4[%add3A_17, %dma_start3A_51] : memref<16384x256xf32, #tpu.memory_space<hbm>> -> memref<128x256xf32, #tpu.memory_space<hbm>>
      tpu.enqueue_dma source(%arg6 : memref<128x256xf32, #tpu.memory_space<vmem>>) target(%dma_start3A_52 : memref<128x256xf32, #tpu.memory_space<hbm>>) target_semaphore(%run_scoped3A : memref<!tpu.dma_semaphore, #tpu.memory_space<semaphore_mem>>)
      %dma_wait3A_53 = arith.constant 0 : i32
      %dma_wait3A_54 = tpu.memref_slice %arg4[%add3A_17, %dma_wait3A_53] : memref<16384x256xf32, #tpu.memory_space<hbm>> -> memref<128x256xf32, #tpu.memory_space<hbm>>
      %dma_wait3A_55 = arith.constant 0 : i32
      %dma_wait3A_56 = tpu.memref_slice %arg4[%add3A_17, %dma_wait3A_55] : memref<16384x256xf32, #tpu.memory_space<hbm>> -> memref<128x256xf32, #tpu.memory_space<hbm>>
      tpu.wait_dma2 semaphore(%run_scoped3A : memref<!tpu.dma_semaphore, #tpu.memory_space<semaphore_mem>>) src(%arg6 : memref<128x256xf32, #tpu.memory_space<vmem>>) dst(%dma_wait3A_56 : memref<128x256xf32, #tpu.memory_space<hbm>>)
      tpu.yield
    }) : () -> ()
    %dma_start3A_18 = arith.constant 256 : i32
    %dma_start3A_19 = tpu.memref_slice %arg5[%dma_start3A_18] : memref<512xi32, #tpu.memory_space<vmem>> -> memref<128xi32, #tpu.memory_space<vmem>>
    %dma_start3A_20 = arith.constant 0 : i32
    %dma_start3A_21 = arith.constant 0 : i32
    %dma_start3A_22 = tpu.memref_slice %arg2[%dma_start3A_20, %dma_start3A_21] : memref<8192x256xf32, #tpu.memory_space<hbm>> -> memref<8192x256xf32, #tpu.memory_space<hbm>>
    tpu.enqueue_indirect_dma source(%dma_start3A_22 : memref<8192x256xf32, #tpu.memory_space<hbm>>) target(%arg6 : memref<128x256xf32, #tpu.memory_space<vmem>>) offsets(%dma_start3A_19 : memref<128xi32, #tpu.memory_space<vmem>>) semaphore(%arg8 : memref<!tpu.dma_semaphore, #tpu.memory_space<semaphore_mem>>)
    %dma_wait3A_23 = arith.constant 128 : i32
    %dma_wait3A_24 = tpu.memref_slice %arg5[%dma_wait3A_23] : memref<512xi32, #tpu.memory_space<vmem>> -> memref<128xi32, #tpu.memory_space<vmem>>
    %dma_wait3A_25 = arith.constant 0 : i32
    %dma_wait3A_26 = arith.constant 0 : i32
    %dma_wait3A_27 = tpu.memref_slice %arg2[%dma_wait3A_25, %dma_wait3A_26] : memref<8192x256xf32, #tpu.memory_space<hbm>> -> memref<8192x256xf32, #tpu.memory_space<hbm>>
    tpu.wait_indirect_dma semaphore(%arg9 : memref<!tpu.dma_semaphore, #tpu.memory_space<semaphore_mem>>) src(%dma_wait3A_27 : memref<8192x256xf32, #tpu.memory_space<hbm>>) dst(%arg7 : memref<128x256xf32, #tpu.memory_space<vmem>>)
    %add3A_28 = arith.constant 128 : i32
    %add3A_29 = arith.addi %mul3A_2, %add3A_28 : i32
    "tpu.region"() ({
      %run_scoped3A = tpu.sem_alloc : memref<!tpu.dma_semaphore, #tpu.memory_space<semaphore_mem>>
      %dma_start3A_49 = arith.constant 0 : i32
      %dma_start3A_50 = tpu.memref_slice %arg4[%add3A_29, %dma_start3A_49] : memref<16384x256xf32, #tpu.memory_space<hbm>> -> memref<128x256xf32, #tpu.memory_space<hbm>>
      %dma_start3A_51 = arith.constant 0 : i32
      %dma_start3A_52 = tpu.memref_slice %arg4[%add3A_29, %dma_start3A_51] : memref<16384x256xf32, #tpu.memory_space<hbm>> -> memref<128x256xf32, #tpu.memory_space<hbm>>
      tpu.enqueue_dma source(%arg7 : memref<128x256xf32, #tpu.memory_space<vmem>>) target(%dma_start3A_52 : memref<128x256xf32, #tpu.memory_space<hbm>>) target_semaphore(%run_scoped3A : memref<!tpu.dma_semaphore, #tpu.memory_space<semaphore_mem>>)
      %dma_wait3A_53 = arith.constant 0 : i32
      %dma_wait3A_54 = tpu.memref_slice %arg4[%add3A_29, %dma_wait3A_53] : memref<16384x256xf32, #tpu.memory_space<hbm>> -> memref<128x256xf32, #tpu.memory_space<hbm>>
      %dma_wait3A_55 = arith.constant 0 : i32
      %dma_wait3A_56 = tpu.memref_slice %arg4[%add3A_29, %dma_wait3A_55] : memref<16384x256xf32, #tpu.memory_space<hbm>> -> memref<128x256xf32, #tpu.memory_space<hbm>>
      tpu.wait_dma2 semaphore(%run_scoped3A : memref<!tpu.dma_semaphore, #tpu.memory_space<semaphore_mem>>) src(%arg7 : memref<128x256xf32, #tpu.memory_space<vmem>>) dst(%dma_wait3A_56 : memref<128x256xf32, #tpu.memory_space<hbm>>)
      tpu.yield
    }) : () -> ()
    %dma_start3A_30 = arith.constant 384 : i32
    %dma_start3A_31 = tpu.memref_slice %arg5[%dma_start3A_30] : memref<512xi32, #tpu.memory_space<vmem>> -> memref<128xi32, #tpu.memory_space<vmem>>
    %dma_start3A_32 = arith.constant 0 : i32
    %dma_start3A_33 = arith.constant 0 : i32
    %dma_start3A_34 = tpu.memref_slice %arg2[%dma_start3A_32, %dma_start3A_33] : memref<8192x256xf32, #tpu.memory_space<hbm>> -> memref<8192x256xf32, #tpu.memory_space<hbm>>
    tpu.enqueue_indirect_dma source(%dma_start3A_34 : memref<8192x256xf32, #tpu.memory_space<hbm>>) target(%arg7 : memref<128x256xf32, #tpu.memory_space<vmem>>) offsets(%dma_start3A_31 : memref<128xi32, #tpu.memory_space<vmem>>) semaphore(%arg9 : memref<!tpu.dma_semaphore, #tpu.memory_space<semaphore_mem>>)
    %dma_wait3A_35 = arith.constant 256 : i32
    %dma_wait3A_36 = tpu.memref_slice %arg5[%dma_wait3A_35] : memref<512xi32, #tpu.memory_space<vmem>> -> memref<128xi32, #tpu.memory_space<vmem>>
    %dma_wait3A_37 = arith.constant 0 : i32
    %dma_wait3A_38 = arith.constant 0 : i32
    %dma_wait3A_39 = tpu.memref_slice %arg2[%dma_wait3A_37, %dma_wait3A_38] : memref<8192x256xf32, #tpu.memory_space<hbm>> -> memref<8192x256xf32, #tpu.memory_space<hbm>>
    tpu.wait_indirect_dma semaphore(%arg8 : memref<!tpu.dma_semaphore, #tpu.memory_space<semaphore_mem>>) src(%dma_wait3A_39 : memref<8192x256xf32, #tpu.memory_space<hbm>>) dst(%arg6 : memref<128x256xf32, #tpu.memory_space<vmem>>)
    %add3A_40 = arith.constant 256 : i32
    %add3A_41 = arith.addi %mul3A_2, %add3A_40 : i32
    "tpu.region"() ({
      %run_scoped3A = tpu.sem_alloc : memref<!tpu.dma_semaphore, #tpu.memory_space<semaphore_mem>>
      %dma_start3A_49 = arith.constant 0 : i32
      %dma_start3A_50 = tpu.memref_slice %arg4[%add3A_41, %dma_start3A_49] : memref<16384x256xf32, #tpu.memory_space<hbm>> -> memref<128x256xf32, #tpu.memory_space<hbm>>
      %dma_start3A_51 = arith.constant 0 : i32
      %dma_start3A_52 = tpu.memref_slice %arg4[%add3A_41, %dma_start3A_51] : memref<16384x256xf32, #tpu.memory_space<hbm>> -> memref<128x256xf32, #tpu.memory_space<hbm>>
      tpu.enqueue_dma source(%arg6 : memref<128x256xf32, #tpu.memory_space<vmem>>) target(%dma_start3A_52 : memref<128x256xf32, #tpu.memory_space<hbm>>) target_semaphore(%run_scoped3A : memref<!tpu.dma_semaphore, #tpu.memory_space<semaphore_mem>>)
      %dma_wait3A_53 = arith.constant 0 : i32
      %dma_wait3A_54 = tpu.memref_slice %arg4[%add3A_41, %dma_wait3A_53] : memref<16384x256xf32, #tpu.memory_space<hbm>> -> memref<128x256xf32, #tpu.memory_space<hbm>>
      %dma_wait3A_55 = arith.constant 0 : i32
      %dma_wait3A_56 = tpu.memref_slice %arg4[%add3A_41, %dma_wait3A_55] : memref<16384x256xf32, #tpu.memory_space<hbm>> -> memref<128x256xf32, #tpu.memory_space<hbm>>
      tpu.wait_dma2 semaphore(%run_scoped3A : memref<!tpu.dma_semaphore, #tpu.memory_space<semaphore_mem>>) src(%arg6 : memref<128x256xf32, #tpu.memory_space<vmem>>) dst(%dma_wait3A_56 : memref<128x256xf32, #tpu.memory_space<hbm>>)
      tpu.yield
    }) : () -> ()
    %dma_wait3A_42 = arith.constant 384 : i32
    %dma_wait3A_43 = tpu.memref_slice %arg5[%dma_wait3A_42] : memref<512xi32, #tpu.memory_space<vmem>> -> memref<128xi32, #tpu.memory_space<vmem>>
    %dma_wait3A_44 = arith.constant 0 : i32
    %dma_wait3A_45 = arith.constant 0 : i32
    %dma_wait3A_46 = tpu.memref_slice %arg2[%dma_wait3A_44, %dma_wait3A_45] : memref<8192x256xf32, #tpu.memory_space<hbm>> -> memref<8192x256xf32, #tpu.memory_space<hbm>>
    tpu.wait_indirect_dma semaphore(%arg9 : memref<!tpu.dma_semaphore, #tpu.memory_space<semaphore_mem>>) src(%dma_wait3A_46 : memref<8192x256xf32, #tpu.memory_space<hbm>>) dst(%arg7 : memref<128x256xf32, #tpu.memory_space<vmem>>)
    %add3A_47 = arith.constant 384 : i32
    %add3A_48 = arith.addi %mul3A_2, %add3A_47 : i32
    "tpu.region"() ({
      %run_scoped3A = tpu.sem_alloc : memref<!tpu.dma_semaphore, #tpu.memory_space<semaphore_mem>>
      %dma_start3A_49 = arith.constant 0 : i32
      %dma_start3A_50 = tpu.memref_slice %arg4[%add3A_48, %dma_start3A_49] : memref<16384x256xf32, #tpu.memory_space<hbm>> -> memref<128x256xf32, #tpu.memory_space<hbm>>
      %dma_start3A_51 = arith.constant 0 : i32
      %dma_start3A_52 = tpu.memref_slice %arg4[%add3A_48, %dma_start3A_51] : memref<16384x256xf32, #tpu.memory_space<hbm>> -> memref<128x256xf32, #tpu.memory_space<hbm>>
      tpu.enqueue_dma source(%arg7 : memref<128x256xf32, #tpu.memory_space<vmem>>) target(%dma_start3A_52 : memref<128x256xf32, #tpu.memory_space<hbm>>) target_semaphore(%run_scoped3A : memref<!tpu.dma_semaphore, #tpu.memory_space<semaphore_mem>>)
      %dma_wait3A_53 = arith.constant 0 : i32
      %dma_wait3A_54 = tpu.memref_slice %arg4[%add3A_48, %dma_wait3A_53] : memref<16384x256xf32, #tpu.memory_space<hbm>> -> memref<128x256xf32, #tpu.memory_space<hbm>>
      %dma_wait3A_55 = arith.constant 0 : i32
      %dma_wait3A_56 = tpu.memref_slice %arg4[%add3A_48, %dma_wait3A_55] : memref<16384x256xf32, #tpu.memory_space<hbm>> -> memref<128x256xf32, #tpu.memory_space<hbm>>
      tpu.wait_dma2 semaphore(%run_scoped3A : memref<!tpu.dma_semaphore, #tpu.memory_space<semaphore_mem>>) src(%arg7 : memref<128x256xf32, #tpu.memory_space<vmem>>) dst(%dma_wait3A_56 : memref<128x256xf32, #tpu.memory_space<hbm>>)
      tpu.yield
    }) : () -> ()
    return
  }
}

module attributes {stable_mosaic.version = 14 : i64} {
  func.func @_argmin_body(%arg0: i32, %arg1: i32, %arg2: memref<256x256xf32, #tpu.memory_space<vmem>>, %arg3: memref<256x512xf32, #tpu.memory_space<vmem>>, %arg4: memref<256x1xi32, #tpu.memory_space<vmem>>, %arg5: memref<256x1xf32, #tpu.memory_space<vmem>>, %arg6: memref<256x1xi32, #tpu.memory_space<vmem>>) attributes {dimension_semantics = [#tpu.dimension_semantics<parallel>, #tpu.dimension_semantics<arbitrary>], iteration_bounds = array<i64: 64, 16>, scalar_prefetch = 0 : i64, scratch_operands = 2 : i64, tpu.core_type = #tpu.core_type<tc>, window_params = [{transform_indices = @transform_0, window_bounds = array<i64: 256, 256>}, {transform_indices = @transform_1, window_bounds = array<i64: 256, 512>}, {transform_indices = @transform_2, window_bounds = array<i64: 256, 1>}]} {
    %get3A = arith.constant 0 : index
    %get3A_0 = arith.constant 0 : index
    %get3A_1 = vector.load %arg2[%get3A, %get3A_0] : memref<256x256xf32, #tpu.memory_space<vmem>>, vector<256x256xf32>
    %get3A_2 = arith.constant 0 : index
    %get3A_3 = arith.constant 0 : index
    %get3A_4 = vector.load %arg3[%get3A_2, %get3A_3] : memref<256x512xf32, #tpu.memory_space<vmem>>, vector<256x512xf32>
    %mul3A = arith.mulf %get3A_4, %get3A_4 : vector<256x512xf32>
    %reduce_sum3A = arith.constant dense<0.000000e+00> : vector<512xf32>
    %reduce_sum3A_5 = vector.multi_reduction <add>, %mul3A, %reduce_sum3A [0] : vector<256x512xf32> to vector<512xf32>
    %broadcast_in_dim3A = vector.shape_cast %reduce_sum3A_5 : vector<512xf32> to vector<1x512xf32>
    %mul3A_6 = arith.constant 5.000000e-01 : f32
    %mul3A_7 = vector.broadcast %mul3A_6 : f32 to vector<1x512xf32>
    %mul3A_8 = arith.mulf %mul3A_7, %broadcast_in_dim3A : vector<1x512xf32>
    %dot_general3A = arith.constant dense<0.000000e+00> : vector<256x512xf32>
    %dot_general3A_9 = tpu.matmul %get3A_1, %get3A_4, %dot_general3A {dimension_numbers = #tpu.dot_dimension_numbers<[1], [0], [0], [1], [0, 0, 1, 1], [], []>, transpose_lhs_hint = false} : vector<256x256xf32>, vector<256x512xf32>, vector<256x512xf32> -> vector<256x512xf32>
    %sub3A = vector.broadcast %mul3A_8 : vector<1x512xf32> to vector<256x512xf32>
    %sub3A_10 = arith.subf %dot_general3A_9, %sub3A : vector<256x512xf32>
    %reduce_max3A = arith.constant dense<0xFF800000> : vector<256xf32>
    %reduce_max3A_11 = vector.multi_reduction <maximumf>, %sub3A_10, %reduce_max3A [1] : vector<256x512xf32> to vector<256xf32>
    %broadcast_in_dim3A_12 = vector.shape_cast %reduce_max3A_11 : vector<256xf32> to vector<256x1xf32>
    %iota3A = tpu.iota {dimensions = array<i32: 1>} : vector<256x512xi32>
    %eq3A = vector.broadcast %broadcast_in_dim3A_12 : vector<256x1xf32> to vector<256x512xf32>
    %eq3A_13 = arith.cmpf oeq, %sub3A_10, %eq3A : vector<256x512xf32>
    %jit3A = arith.constant 8192 : i32
    %broadcast_in_dim3A_14 = vector.broadcast %jit3A : i32 to vector<256x512xi32>
    %select_n3A = arith.select %eq3A_13, %iota3A, %broadcast_in_dim3A_14 : vector<256x512xi1>, vector<256x512xi32>
    %reduce_min3A = arith.constant dense<2147483647> : vector<256xi32>
    %reduce_min3A_15 = vector.multi_reduction <minsi>, %select_n3A, %reduce_min3A [1] : vector<256x512xi32> to vector<256xi32>
    %broadcast_in_dim3A_16 = vector.shape_cast %reduce_min3A_15 : vector<256xi32> to vector<256x1xi32>
    %mul3A_17 = arith.constant 512 : i32
    %mul3A_18 = arith.muli %arg1, %mul3A_17 : i32
    %add3A = vector.broadcast %mul3A_18 : i32 to vector<256x1xi32>
    %add3A_19 = arith.addi %broadcast_in_dim3A_16, %add3A : vector<256x1xi32>
    %eq3A_20 = arith.constant 0 : i32
    %eq3A_21 = arith.cmpi eq, %arg1, %eq3A_20 : i32
    %convert_element_type3A = arith.extui %eq3A_21 : i1 to i32
    %cond3A = arith.constant 0 : i32
    %cond3A_22 = arith.cmpi ne, %convert_element_type3A, %cond3A : i32
    scf.if %cond3A_22 {
      %broadcast_in_dim3A_44 = arith.constant 0xFF800000 : f32
      %broadcast_in_dim3A_45 = vector.broadcast %broadcast_in_dim3A_44 : f32 to vector<256x1xf32>
      %swap3A_46 = arith.constant 0 : index
      %swap3A_47 = arith.constant 0 : index
      %swap3A_48 = vector.load %arg5[%swap3A_46, %swap3A_47] : memref<256x1xf32, #tpu.memory_space<vmem>>, vector<256x1xf32>
      tpu.vector_store %arg5[%swap3A_46, %swap3A_47], %broadcast_in_dim3A_45 {strides = array<i32>} : memref<256x1xf32, #tpu.memory_space<vmem>>, vector<256x1xf32>,
      %broadcast_in_dim3A_49 = arith.constant 0 : i32
      %broadcast_in_dim3A_50 = vector.broadcast %broadcast_in_dim3A_49 : i32 to vector<256x1xi32>
      %swap3A_51 = arith.constant 0 : index
      %swap3A_52 = arith.constant 0 : index
      %swap3A_53 = vector.load %arg6[%swap3A_51, %swap3A_52] : memref<256x1xi32, #tpu.memory_space<vmem>>, vector<256x1xi32>
      tpu.vector_store %arg6[%swap3A_51, %swap3A_52], %broadcast_in_dim3A_50 {strides = array<i32>} : memref<256x1xi32, #tpu.memory_space<vmem>>, vector<256x1xi32>,
    } else {
    }
    %get3A_23 = arith.constant 0 : index
    %get3A_24 = arith.constant 0 : index
    %get3A_25 = vector.load %arg5[%get3A_23, %get3A_24] : memref<256x1xf32, #tpu.memory_space<vmem>>, vector<256x1xf32>
    %gt3A = arith.cmpf ogt, %broadcast_in_dim3A_12, %get3A_25 : vector<256x1xf32>
    %get3A_26 = arith.constant 0 : index
    %get3A_27 = arith.constant 0 : index
    %get3A_28 = vector.load %arg5[%get3A_26, %get3A_27] : memref<256x1xf32, #tpu.memory_space<vmem>>, vector<256x1xf32>
    %select_n3A_29 = arith.select %gt3A, %broadcast_in_dim3A_12, %get3A_28 : vector<256x1xi1>, vector<256x1xf32>
    %swap3A = arith.constant 0 : index
    %swap3A_30 = arith.constant 0 : index
    %swap3A_31 = vector.load %arg5[%swap3A, %swap3A_30] : memref<256x1xf32, #tpu.memory_space<vmem>>, vector<256x1xf32>
    tpu.vector_store %arg5[%swap3A, %swap3A_30], %select_n3A_29 {strides = array<i32>} : memref<256x1xf32, #tpu.memory_space<vmem>>, vector<256x1xf32>,
    %get3A_32 = arith.constant 0 : index
    %get3A_33 = arith.constant 0 : index
    %get3A_34 = vector.load %arg6[%get3A_32, %get3A_33] : memref<256x1xi32, #tpu.memory_space<vmem>>, vector<256x1xi32>
    %select_n3A_35 = arith.select %gt3A, %add3A_19, %get3A_34 : vector<256x1xi1>, vector<256x1xi32>
    %swap3A_36 = arith.constant 0 : index
    %swap3A_37 = arith.constant 0 : index
    %swap3A_38 = vector.load %arg6[%swap3A_36, %swap3A_37] : memref<256x1xi32, #tpu.memory_space<vmem>>, vector<256x1xi32>
    tpu.vector_store %arg6[%swap3A_36, %swap3A_37], %select_n3A_35 {strides = array<i32>} : memref<256x1xi32, #tpu.memory_space<vmem>>, vector<256x1xi32>,
    %eq3A_39 = arith.constant 15 : i32
    %eq3A_40 = arith.cmpi eq, %arg1, %eq3A_39 : i32
    %convert_element_type3A_41 = arith.extui %eq3A_40 : i1 to i32
    %cond3A_42 = arith.constant 0 : i32
    %cond3A_43 = arith.cmpi ne, %convert_element_type3A_41, %cond3A_42 : i32
    scf.if %cond3A_43 {
      %get3A_44 = arith.constant 0 : index
      %get3A_45 = arith.constant 0 : index
      %get3A_46 = vector.load %arg6[%get3A_44, %get3A_45] : memref<256x1xi32, #tpu.memory_space<vmem>>, vector<256x1xi32>
      %swap3A_47 = arith.constant 0 : index
      %swap3A_48 = arith.constant 0 : index
      %swap3A_49 = vector.load %arg4[%swap3A_47, %swap3A_48] : memref<256x1xi32, #tpu.memory_space<vmem>>, vector<256x1xi32>
      tpu.vector_store %arg4[%swap3A_47, %swap3A_48], %get3A_46 {strides = array<i32>} : memref<256x1xi32, #tpu.memory_space<vmem>>, vector<256x1xi32>,
    } else {
    }
    return
  }
  func.func @transform_0(%arg0: i32, %arg1: i32) -> (i32, i32) {
    %c0_i32 = arith.constant 0 : i32
    %c0_i32_0 = arith.constant 0 : i32
    return %arg0, %c0_i32 : i32, i32
  }
  func.func @transform_1(%arg0: i32, %arg1: i32) -> (i32, i32) {
    %c0_i32 = arith.constant 0 : i32
    %c0_i32_0 = arith.constant 0 : i32
    return %c0_i32, %arg1 : i32, i32
  }
  func.func @transform_2(%arg0: i32, %arg1: i32) -> (i32, i32) {
    %c0_i32 = arith.constant 0 : i32
    %c0_i32_0 = arith.constant 0 : i32
    return %arg0, %c0_i32 : i32, i32
  }
}

module attributes {stable_mosaic.version = 14 : i64} {
  func.func @_st_body(%arg0: i32, %arg1: memref<1024x256xf32, #tpu.memory_space<vmem>>, %arg2: memref<1024x256xf32, #tpu.memory_space<vmem>>, %arg3: memref<1024x256xf32, #tpu.memory_space<vmem>>, %arg4: memref<1x1xf32, #tpu.memory_space<smem>>) attributes {dimension_semantics = [#tpu.dimension_semantics<arbitrary>], iteration_bounds = array<i64: 16>, scalar_prefetch = 0 : i64, scratch_operands = 0 : i64, tpu.core_type = #tpu.core_type<tc>, window_params = [{transform_indices = @transform_0, window_bounds = array<i64: 1024, 256>}, {transform_indices = @transform_1, window_bounds = array<i64: 1024, 256>}, {transform_indices = @transform_2, window_bounds = array<i64: 1024, 256>}, {transform_indices = @transform_3, window_bounds = array<i64: 1, 1>}]} {
    %get3A = arith.constant 0 : index
    %get3A_0 = arith.constant 0 : index
    %get3A_1 = vector.load %arg1[%get3A, %get3A_0] : memref<1024x256xf32, #tpu.memory_space<vmem>>, vector<1024x256xf32>
    %get3A_2 = arith.constant 0 : index
    %get3A_3 = arith.constant 0 : index
    %get3A_4 = vector.load %arg2[%get3A_2, %get3A_3] : memref<1024x256xf32, #tpu.memory_space<vmem>>, vector<1024x256xf32>
    %sub3A = arith.subf %get3A_4, %get3A_1 : vector<1024x256xf32>
    %add3A = arith.addf %get3A_1, %sub3A : vector<1024x256xf32>
    %swap3A = arith.constant 0 : index
    %swap3A_5 = arith.constant 0 : index
    %swap3A_6 = vector.load %arg3[%swap3A, %swap3A_5] : memref<1024x256xf32, #tpu.memory_space<vmem>>, vector<1024x256xf32>
    tpu.vector_store %arg3[%swap3A, %swap3A_5], %add3A {strides = array<i32>} : memref<1024x256xf32, #tpu.memory_space<vmem>>, vector<1024x256xf32>,
    %eq3A = arith.constant 0 : i32
    %eq3A_7 = arith.cmpi eq, %arg0, %eq3A : i32
    %convert_element_type3A = arith.extui %eq3A_7 : i1 to i32
    %cond3A = arith.constant 0 : i32
    %cond3A_8 = arith.cmpi ne, %convert_element_type3A, %cond3A : i32
    scf.if %cond3A_8 {
      %swap3A_25 = arith.constant 0.000000e+00 : f32
      %swap3A_26 = arith.constant 0 : index
      %swap3A_27 = arith.constant 0 : index
      %swap3A_28 = memref.load %arg4[%swap3A_26, %swap3A_27] : memref<1x1xf32, #tpu.memory_space<smem>>
      memref.store %swap3A_25, %arg4[%swap3A_26, %swap3A_27] : memref<1x1xf32, #tpu.memory_space<smem>>
    } else {
    }
    %get3A_9 = arith.constant 0 : index
    %get3A_10 = arith.constant 0 : index
    %get3A_11 = memref.load %arg4[%get3A_9, %get3A_10] : memref<1x1xf32, #tpu.memory_space<smem>>
    %mul3A = arith.mulf %sub3A, %sub3A : vector<1024x256xf32>
    %reduce_sum3A = vector.shape_cast %mul3A : vector<1024x256xf32> to vector<1x1024x256xf32>
    %reduce_sum3A_12 = arith.constant dense<0.000000e+00> : vector<1xf32>
    %reduce_sum3A_13 = vector.multi_reduction <add>, %reduce_sum3A, %reduce_sum3A_12 [1, 2] : vector<1x1024x256xf32> to vector<1xf32>
    %reduce_sum3A_14 = vector.shape_cast %reduce_sum3A_13 : vector<1xf32> to vector<1x1x1xf32>
    %reduce_sum3A_15 = vector.extract %reduce_sum3A_14[0, 0, 0] : f32 from vector<1x1x1xf32>
    %add3A_16 = arith.addf %get3A_11, %reduce_sum3A_15 : f32
    %swap3A_17 = arith.constant 0 : index
    %swap3A_18 = arith.constant 0 : index
    %swap3A_19 = memref.load %arg4[%swap3A_17, %swap3A_18] : memref<1x1xf32, #tpu.memory_space<smem>>
    memref.store %add3A_16, %arg4[%swap3A_17, %swap3A_18] : memref<1x1xf32, #tpu.memory_space<smem>>
    %eq3A_20 = arith.constant 15 : i32
    %eq3A_21 = arith.cmpi eq, %arg0, %eq3A_20 : i32
    %convert_element_type3A_22 = arith.extui %eq3A_21 : i1 to i32
    %cond3A_23 = arith.constant 0 : i32
    %cond3A_24 = arith.cmpi ne, %convert_element_type3A_22, %cond3A_23 : i32
    scf.if %cond3A_24 {
      %get3A_25 = arith.constant 0 : index
      %get3A_26 = arith.constant 0 : index
      %get3A_27 = memref.load %arg4[%get3A_25, %get3A_26] : memref<1x1xf32, #tpu.memory_space<smem>>
      %mul3A_28 = arith.constant 2.38418579E-7 : f32
      %mul3A_29 = arith.mulf %get3A_27, %mul3A_28 : f32
      %swap3A_30 = arith.constant 0 : index
      %swap3A_31 = arith.constant 0 : index
      %swap3A_32 = memref.load %arg4[%swap3A_30, %swap3A_31] : memref<1x1xf32, #tpu.memory_space<smem>>
      memref.store %mul3A_29, %arg4[%swap3A_30, %swap3A_31] : memref<1x1xf32, #tpu.memory_space<smem>>
    } else {
    }
    return
  }
  func.func @transform_0(%arg0: i32) -> (i32, i32) {
    %c0_i32 = arith.constant 0 : i32
    %c0_i32_0 = arith.constant 0 : i32
    return %arg0, %c0_i32 : i32, i32
  }
  func.func @transform_1(%arg0: i32) -> (i32, i32) {
    %c0_i32 = arith.constant 0 : i32
    %c0_i32_0 = arith.constant 0 : i32
    return %arg0, %c0_i32 : i32, i32
  }
  func.func @transform_2(%arg0: i32) -> (i32, i32) {
    %c0_i32 = arith.constant 0 : i32
    %c0_i32_0 = arith.constant 0 : i32
    return %arg0, %c0_i32 : i32, i32
  }
  func.func @transform_3(%arg0: i32) -> (i32, i32) {
    %c0_i32 = arith.constant 0 : i32
    %c0_i32_0 = arith.constant 0 : i32
    %c0_i32_1 = arith.constant 0 : i32
    return %c0_i32, %c0_i32_0 : i32, i32
  }
}

</mosaic_0001>

<sc_bundles>
// kernel: kernel.5.cloned.1.call-start
scs
__scs_entry_jumppad:
0x0: {  	(pc) =	sbr.rel $0x88, $3  }
0x1: {  	(tag) =	ssettag $0x0;
	lr =	simm.s32 $0x1  }
0x2: {  	[smem:$0x3F9F] =	sst lr;
	_ =	strace $0xD0000000  }
0x3: {  	_ = 	snop  }
0x4: {  	_ = 	snop  }
0x5: {  	_ = 	snop  }
0x6: {  	_ = 	snop  }
0x7: {  	_ = 	snop  }
__scs_overlays_trampoline_lowered:
0x8: {  	[smem:$0x3FAE] =	sst s0  }
0x9: {  	[smem:$0x3FAF] =	sst s1  }
0xa: {  	[smem:$0x3FB0] =	sst s2  }
0xb: {  	[smem:$0x3FB1] =	sst s3  }
0xc: {  	[smem:$0x3FB2] =	sst s4  }
0xd: {  	[smem:$0x3FB3] =	sst s5  }
0xe: {  	[smem:$0x3FB4] =	sst s6  }
0xf: {  	[smem:$0x3FB5] =	sst s7  }
0x10: {  	[smem:$0x3FB6] =	sst s8  }
0x11: {  	[smem:$0x3FB7] =	sst s9;
	s0 =	simm.s32 @!p0 $0x0  }
0x12: {  	s1 =	sld [smem:$0x3F9D];
	s0 =	simm.s32 @p0 $0x1  }
0x13: {  	[smem:$0x3FB8] =	sst s0;
	s0 =	simm.s32 @!p1 $0x0  }
0x14: {  	s2 =	sld [smem:$0x3F9C];
	s0 =	simm.s32 @p1 $0x1  }
0x15: {  	[smem:$0x3FB9] =	sst s0;
	s0 =	simm.s32 @!p2 $0x0  }
0x16: {  	s3 =	sld [smem:$0x3FDB];
	s0 =	simm.s32 @p2 $0x1  }
0x17: {  	s4 =	simm.s32 $0x1BF5;
	[smem:$0x3FBB] =	sst s0  }
0x18: {  	s0 =	sld [smem:$0x3F9E];
	_ =	swait.ge [sflag:s4], $0x0  }
0x19: {  	s7 =	sld [smem:$0x3F9F]  }
0x1a: {  	s8 =	sadd.s32 $0xFFFFE003, lr  }
0x1b: {  	s9 =	sadd.s32 $0xFFFFFEF7, lr;
	s5 =	simm.s32 $0xFFFFFFFF;
	p2 =	slt.u32 s8, $0xFFFFF086  }
0x1c: {  	p1 =	slt.u32 s9, $0xF7A;
	s5 =	simm.s32 @!p2 $0x0  }
0x1d: {  	s5 =	simm.s32 @p1 $0x1;
	p0 =	seq.s32 s7, s2  }
0x1e: {  	s7 =	smul.u32 @!p0 $0xF7A, s2;
	p2 =	seq.s32 @!p0 s5, $0x0  }
0x1f: {  	s9 =	smul.u32 $0xF7A, s1;
	s8 =	simm.s32 @!p0 $0x1BF5;
	p2 =	por !p2, p0  }
0x20: {  	[sflag:s8] =	ssyncset.s32 @!p0 $0xFFFFF086;
	s6 =	sadd.s32 @!p0 s3, s7;
	s7 =	simm.s32 @!p0 $0x108  }
0x21: {  	s3 =	sadd.s32 s3, s9;
	s6 =	sadd.s32 @!p0 $0x88, s6;
	s7 =	simm.s32 @p2 $0x1082  }
0x22: {  	[simem:s7], [sflag:s8] =	dma.local @!p0 [hbm:s6], $0xF7A  }
0x23: {  	s9 =	sor.u32 $0xD0000000, s2;
	s6 =	simm.s32 $0x108;
	_ =	swait.ge @!p0 [sflag:s8], $0x0  }
0x24: {  	s3 =	sadd.s32 $0x88, s3;
	s6 =	simm.s32 @!p1 $0x1082;
	[sflag:s4] =	ssyncset.s32 $0xFFFFF086  }
0x25: {  	[simem:s6], [sflag:s4] =	dma.local [hbm:s3], $0xF7A  }
0x26: {  	[smem:$0x3F9F] =	sst s1;
	(tag) =	ssettag s2;
	_ =	strace s9  }
0x27: {  	s1 =	sld [smem:$0x3FAF]  }
0x28: {  	s2 =	sld [smem:$0x3FB0]  }
0x29: {  	s4 =	sld [smem:$0x3FB2]  }
0x2a: {  	p0 =	seq.s32 s5, $0x0;
	s5 =	sld [smem:$0x3FB3]  }
0x2b: {  	s6 =	sld [smem:$0x3FB4]  }
0x2c: {  	s7 =	sld [smem:$0x3FB5]  }
0x2d: {  	s3 =	simm.s32 $0x108;
	s8 =	sld [smem:$0x3FB6]  }
0x2e: {  	s3 =	simm.s32 @!p0 $0x1082;
	s9 =	sld [smem:$0x3FB7]  }
0x2f: {  	lr =	sadd.s32 s0, s3;
	s0 =	sld [smem:$0x3FAE]  }
0x30: {  	s3 =	sld [smem:$0x3FB1]  }
0x31: {  	[smem:$0x3FBA] =	sst s10  }
0x32: {  	s10 =	sld [smem:$0x3FB8];
	_ =	sdelay $0x3  }
0x33: {  	p0 =	seq.s32 s10, $0x1;
	s10 =	sld [smem:$0x3FBA];
	_ =	sdelay $0x3  }
0x34: {  	[smem:$0x3FBA] =	sst s10  }
0x35: {  	s10 =	sld [smem:$0x3FB9];
	_ =	sdelay $0x3  }
0x36: {  	p1 =	seq.s32 s10, $0x1;
	s10 =	sld [smem:$0x3FBA];
	_ =	sdelay $0x3  }
0x37: {  	[smem:$0x3FBA] =	sst s10  }
0x38: {  	s10 =	sld [smem:$0x3FBB]  }
0x39: {  	_ = 	snop;
	(pc) =	sbr.ind lr, $3  }
0x3a: {  	_ = 	snop  }
0x3b: {  	_ = 	snop  }
0x3c: {  	p2 =	seq.s32 s10, $0x1;
	s10 =	sld [smem:$0x3FBA]  }
0x3d: {  	_ =	shalt  }
0x3e: {  	_ =	shalt  }
0x3f: {  	_ =	shalt  }
0x40: {  	_ =	shalt  }
0x41: {  	_ =	shalt  }
0x42: {  	_ =	shalt  }
0x43: {  	_ =	shalt  }
0x44: {  	_ =	shalt  }
0x45: {  	_ =	shalt  }
0x46: {  	_ =	shalt  }
0x47: {  	_ =	shalt  }
0x48: {  	_ =	shalt  }
0x49: {  	_ =	shalt  }
0x4a: {  	_ =	shalt  }
0x4b: {  	_ =	shalt  }
0x4c: {  	_ =	shalt  }
0x4d: {  	_ =	shalt  }
0x4e: {  	_ =	shalt  }
0x4f: {  	_ =	shalt  }
0x50: {  	_ =	shalt  }
0x51: {  	_ =	shalt  }
0x52: {  	_ =	shalt  }
0x53: {  	_ =	shalt  }
0x54: {  	_ =	shalt  }
0x55: {  	_ =	shalt  }
0x56: {  	_ =	shalt  }
0x57: {  	_ =	shalt  }
0x58: {  	_ =	shalt  }
0x59: {  	_ =	shalt  }
0x5a: {  	_ =	shalt  }
0x5b: {  	_ =	shalt  }
0x5c: {  	_ =	shalt  }
0x5d: {  	_ =	shalt  }
0x5e: {  	_ =	shalt  }
0x5f: {  	_ =	shalt  }
0x60: {  	_ =	shalt  }
0x61: {  	_ =	shalt  }
0x62: {  	_ =	shalt  }
0x63: {  	_ =	shalt  }
0x64: {  	_ =	shalt  }
0x65: {  	_ =	shalt  }
0x66: {  	_ =	shalt  }
0x67: {  	_ =	shalt  }
0x68: {  	_ =	shalt  }
0x69: {  	_ =	shalt  }
0x6a: {  	_ =	shalt  }
0x6b: {  	_ =	shalt  }
0x6c: {  	_ =	shalt  }
0x6d: {  	_ =	shalt  }
0x6e: {  	_ =	shalt  }
0x6f: {  	_ =	shalt  }
0x70: {  	_ =	shalt  }
0x71: {  	_ =	shalt  }
0x72: {  	_ =	shalt  }
0x73: {  	_ =	shalt  }
0x74: {  	_ =	shalt  }
0x75: {  	_ =	shalt  }
0x76: {  	_ =	shalt  }
0x77: {  	_ =	shalt  }
0x78: {  	_ =	shalt  }
0x79: {  	_ =	shalt  }
0x7a: {  	_ =	shalt  }
0x7b: {  	_ =	shalt  }
0x7c: {  	_ =	shalt  }
0x7d: {  	_ =	shalt  }
0x7e: {  	_ =	shalt  }
0x7f: {  	_ =	shalt  }
0x80: {  	_ =	shalt  }
0x81: {  	_ =	shalt  }
0x82: {  	_ =	shalt  }
0x83: {  	_ =	shalt  }
0x84: {  	_ =	shalt  }
0x85: {  	_ =	shalt  }
0x86: {  	_ =	shalt  }
0x87: {  	_ =	shalt  }
.Lfunc_end0:
.L_simem_size_0:
called_computation_lowered:
.L_overlay_start_0:
0x88: {  	s2 =	sld [smem:$0x3FD9]  }
0x89: {  	s3 =	sld [smem:$0x3FFE];
	_ =	sdelay $0x1  }
0x8a: {  	s1 =	srdreg.scid  }
0x8b: {  	s0 =	sand.u32 $0x1, s1  }
0x8c: {  	s14 =	sshll.u32 s0, $0xA;
	s2 =	sadd.s32 s3, s2  }
0x8d: {  	s2 =	sadd.s32 s2, s14  }
0x8e: {  	[smem:$0x3FC6] =	sst s2  }
0x8f: {  	_ = 	snop  }
0x90: {  	s2 =	sld [smem:$0x3FD0];
	_ =	sdelay $0x2  }
0x91: {  	s15 =	simm.s32 $0xA;
	s4 =	simm.s32 $0x10  }
0x92: {  	[smem:s4], [sflag:s15] =	dma.local [hbm:s2], $0x1  }
0x93: {  	_ =	swait.eq [sflag:s15], $0x1  }
0x94: {  	[sflag:s15] =	ssyncset.done $0x0  }
0x95: {  	[sflag:s15] =	ssyncadd.s32 $0xFFFFFFFF  }
0x96: {  	s16 =	sld [smem:$0x10];
	(tm) =	ssettm $0x1  }
0x97: {  	s17 =	sld [smem:$0x3FFB];
	_ =	sdelay $0x3  }
0x98: {  	_ =	strace s17  }
0x99: {  	s3 =	sld [smem:$0x3FFC];
	_ =	sdelay $0x3  }
0x9a: {  	_ =	strace s3  }
0x9b: {  	s3 =	sld [smem:$0x3FFD];
	_ =	sdelay $0x3  }
0x9c: {  	_ =	strace s3  }
0x9d: {  	_ =	strace $0x8FFFFFFF  }
0x9e: {  	s18 =	sld [smem:$0x3FDB];
	_ =	sdelay $0x1  }
0x9f: {  	s19 =	simm.s32 $_scs_section_size  }
0xa0: {  	s5 =	simm.s32 $_size__tile_overlayer_lowered;
	s6 =	simm.s32 $_tile_overlayer_lowered  }
0xa1: {  	s22 =	simm.s32 $0x1BFF;
	s21 =	sshll.u32 s6, $0x1;
	s3 =	sadd.s32 s19, s18  }
0xa2: {  	s7 =	simm.s32 $0x0;
	s20 =	sshll.u32 s5, $0x1;
	s5 =	sadd.s32 s21, s3  }
0xa3: {  	[timem:s7], [sflag:s22] =	dma.local [hbm:s5], s20  }
0xa4: {  	_ =	swait.ge [sflag:s22], s20  }
0xa5: {  	s4 =	ssub.s32 $0x0, s20;
	[sflag:s22] =	ssyncset.done $0x0  }
0xa6: {  	[sflag:s22] =	ssyncadd.s32 s4;
	_ =	sdelay $0x1  }
0xa7: {  	s23 =	simm.s32 $0x1B8B  }
0xa8: {  	_ =	swait.ge [sflag:s23], $0x1  }
0xa9: {  	[sflag:s23] =	ssyncset.done $0x0  }
0xaa: {  	s25 =	simm.s32 $0x1B8E;
	s24 =	sld [smem:$0x3FFE];
	[sflag:s23] =	ssyncadd.s32 $0xFFFFFFFF  }
0xab: {  	s26 =	simm.s32 $execute0_lowered;
	[smem:$0x3FD2] =	sst s25  }
0xac: {  	s5 =	sshll.u32 s26, $0x1;
	_ =	strace $0x80000046;
	[dreg:$0x1] =	wrdreg $0xFFFFFFFF  }
0xad: {  	s28 =	simm.s32 $_size_execute0_lowered;
	s3 =	sadd.s32 s3, s5;
	[dreg:$0x0] =	wrdreg $0x0  }
0xae: {  	s5 =	sshll.u32 s28, $0x1;
	[dreg:$0x2] =	wrdreg s3  }
0xaf: {  	[dreg:$0x3] =	wrdreg s5  }
0xb0: {  	[dreg:$0x4] =	wrdreg $0xC0  }
0xb1: {  	_ =	task [dreg:s7], $0x5FFFF  }
0xb2: {  	[dreg:$0x1] =	wrdreg $0xFFFFFFFF  }
0xb3: {  	[dreg:$0x0] =	wrdreg $0x60  }
0xb4: {  	[dreg:$0x2] =	wrdreg s16  }
0xb5: {  	[dreg:$0x3] =	wrdreg s24  }
0xb6: {  	[dreg:$0x4] =	wrdreg $0x9  }
0xb7: {  	_ =	task.clear_ibuf [dreg:s7], $0x5FFFF;
	_ =	strace $0x90000046  }
0xb8: {  	s29 =	simm.s32 $0x9;
	_ =	strace $0x80000048  }
0xb9: {  	_ =	swait.ge [sflag:s29], $0x1  }
0xba: {  	[sflag:s29] =	ssyncadd.s32 $0xFFFFFFFF  }
0xbb: {  	_ =	strace $0x90000048  }
0xbc: {  	_ =	sfence  }
0xbd: {  	s30 =	sld [smem:$0x0];
	_ =	sdelay $0x2  }
0xbe: {  	s31 =	sshll.u32 s1, $0xD;
	s1 =	sshrl.u32 s1, $0x2  }
0xbf: {  	s3 =	sand.u32 $0x4000, s31;
	s1 =	sadd.s32 s1, s30  }
0xc0: {  	s0 =	sor.u32 s3, s0;
	s1 =	sshll.u32 s1, $0x11  }
0xc1: {  	s0 =	sor.u32 s1, s0  }
0xc2: {  	s0 =	sadd.s32 $0x8F2B, s0  }
0xc3: {  	[sflag:s0] =	ssyncadd.remote.s32 $0x1  }
0xc4: {  	_ =	sfence.sel $0xFFFF  }
0xc5: {  	[dreg:$0x0] =	wrdreg $0xFFFFFFFF;
	(pc) =	sbr.abs _section_cstart, $3  }
0xc6: {  	[dreg:$0x1] =	wrdreg $0xFFFFFFFF  }
0xc7: {  	_ =	task.clear_ibuf [dreg:s7], $0x2FFFF;
	_ =	strace $0x9FFFFFFF  }
0xc8: {  	(tm) =	ssettm $0x7FFFFFFF  }
0xc9: {  	_ =	shalt  }
tec
execute0_lowered:
.L_overlay_start_1:
0x0: {  	(tag) =	ssettag $0x1  }
0x1: {  	s0 =	srdreg.scid;
	s2 =	rddreg [dreg:$0x0]  }
0x2: {  	s1 =	stileid.u32;
	s4 =	rddreg [dreg:$0x1];
	s13 =	simm.s32 $0x2  }
0x3: {  	s15 =	simm.s32 $0xA00;
	s16 =	simm.s32 $0x1200;
	s17 =	simm.s32 $0x1A00  }
0x4: {  	s18 =	simm.s32 $0x2200;
	s19 =	simm.s32 $0x2A00;
	s20 =	simm.s32 $0x3200  }
0x5: {  	s21 =	simm.s32 $0x3A00;
	s28 =	simm.s32 $0x6200;
	s29 =	simm.s32 $0x6A00  }
0x6: {  	s30 =	simm.s32 $0x7200;
	s31 =	simm.s32 $0x7A00;
	s7 =	simm.s32 $0x9A00  }
0x7: {  	s8 =	simm.s32 $0xA200;
	s9 =	simm.s32 $0xAA00;
	s0 =	sand.u32 $0x1, s0  }
0x8: {  	s10 =	simm.s32 $0xB200;
	s1 =	sshll.u32 s1, $0xA;
	s3 =	sshll.u32 s0, $0x9  }
0x9: {  	s11 =	simm.s32 $0xBA00;
	s0 =	ssub.s32 $0x2, s0;
	s1 =	sor.u32 s3, s1  }
0xa: {  	s3 =	simm.s32 $0x0;
	s26 =	sshrl.u32 s0, $0x1;
	s5 =	sshrl.u32 s1, $0x3  }
0xb: {  	[smem:$0x7FF] =	sst s3;
	s1 =	sshll.u32 s1, $0x5;
	s5 =	sadd.s32 s5, s4  }
0xc: {  	s0 =	ssub.s32 s0, s26;
	s1 =	sadd.s32 s1, s4;
	s22 =	sadd.s32 $0x1C00, s5  }
0xd: {  	_ =	strace $0x80000047;
	s23 =	sadd.s32 $0x2400, s1;
	[dreg:$0x3] =	wrdreg s22  }
0xe: {  	s26 =	simm.s32 $0x5A00;
	s24 =	sadd.s32 $0x3400, s1;
	[dreg:$0x4] =	wrdreg s23  }
0xf: {  	s4 =	smax.u32 s0, $0x1;
	s25 =	sadd.s32 $0x4400, s1;
	[dreg:$0x5] =	wrdreg s24  }
0x10: {  	v2 =	vlaneseq.u32;
	s1 =	sadd.s32 $0x5400, s1;
	s5 =	simm.s32 $0x3;
	[dreg:$0x6] =	wrdreg s25  }
0x11: {  	vm0 =	vmmov $0xffff;
	v1 =	vshrl.u32 v2, $0x3;
	[dreg:$0x7] =	wrdreg s1;
	s1 =	simm.s32 $0x1;
	s23 =	simm.s32 $0x4200  }
0x12: {  	v0 =	vand.u32 $0x7, v2;
	v2 =	vor.u32 $0x8, v2;
	v1 =	vmul.u32 $0x8, v1;
	s24 =	simm.s32 $0x4A00;
	s25 =	simm.s32 $0x5200;
	s22 =	simm.s32 $0x9200  }
.LBB2_1:
0x13: {  	s14 =	rddreg [dreg:$0x3]  }
0x14: {  	[tilespmem:s3], [sflag:$0x3] =	stream.linear.gather [hbm4b:s14+s3], $0x200, $0x38;
	[tilespmem:$0x10200] =	vst v63  }
0x15: {  	_ =	swait.ge [sflag:s5], $0x200  }
0x16: {  	[sflag:s5] =	ssyncset.done $0x0  }
0x17: {  	[sflag:s5] =	ssyncadd.s32 $0xFFFFFE00  }
0x18: {  	v3 =	vld [tilespmem:$0x0];
	_ =	sdelay $0x4  }
0x19: {  	v4 =	vshll.u32 v3, $0x1  }
0x1a: {  	v3 =	vand.u32 $0x7, v3;
	v4 =	vand.u32 $0xFFFFFFF0, v4  }
0x1b: {  	v3 =	vor.u32 v3, v4  }
0x1c: {  	v4 =	vperm.xlane v3, v0;
	_ =	sdelay $0x1  }
0x1d: {  	v3 =	vperm.xlane v3, v2;
	v4 =	vadd.s32 v1, v4;
	_ =	sdelay $0x1  }
0x1e: {  	v3 =	vadd.s32 v1, v3;
	_ =	sdelay $0x1  }
0x1f: {  	s0 =	simm.s32 $0x200  }
0x20: {  	[tilespmem:s0], [sflag:$0x1] =	stream.indirect_vreg.gather [hbm4b:s2+s3], $0x80, v4, vm0, $0xb8;
	[tilespmem:$0x10200] =	vst v63  }
0x21: {  	_ = 	snop  }
0x22: {  	[tilespmem:s15], [sflag:$0x1] =	stream.indirect_vreg.gather [hbm4b:s2+s3], $0x80, v3, vm0, $0xb8;
	[tilespmem:$0x10200] =	vst v63  }
0x23: {  	v3 =	vld [tilespmem:$0x10];
	_ =	sdelay $0x4  }
0x24: {  	v33 =	vshll.u32 v3, $0x1  }
0x25: {  	v3 =	vand.u32 $0x7, v3;
	v4 =	vand.u32 $0xFFFFFFF0, v33  }
0x26: {  	v3 =	vor.u32 v3, v4  }
0x27: {  	v4 =	vperm.xlane v3, v0;
	_ =	sdelay $0x1  }
0x28: {  	v3 =	vperm.xlane v3, v2;
	v4 =	vadd.s32 v1, v4;
	_ =	sdelay $0x1  }
0x29: {  	v3 =	vadd.s32 v1, v3;
	_ =	sdelay $0x2  }
0x2a: {  	[tilespmem:s16], [sflag:$0x1] =	stream.indirect_vreg.gather [hbm4b:s2+s3], $0x80, v4, vm0, $0xb8;
	[tilespmem:$0x10200] =	vst v63  }
0x2b: {  	_ = 	snop  }
0x2c: {  	[tilespmem:s17], [sflag:$0x1] =	stream.indirect_vreg.gather [hbm4b:s2+s3], $0x80, v3, vm0, $0xb8;
	[tilespmem:$0x10200] =	vst v63  }
0x2d: {  	v3 =	vld [tilespmem:$0x20];
	_ =	sdelay $0x4  }
0x2e: {  	v34 =	vshll.u32 v3, $0x1  }
0x2f: {  	v3 =	vand.u32 $0x7, v3;
	v4 =	vand.u32 $0xFFFFFFF0, v34  }
0x30: {  	v3 =	vor.u32 v3, v4  }
0x31: {  	v4 =	vperm.xlane v3, v0;
	_ =	sdelay $0x1  }
0x32: {  	v3 =	vperm.xlane v3, v2;
	v4 =	vadd.s32 v1, v4;
	_ =	sdelay $0x1  }
0x33: {  	v3 =	vadd.s32 v1, v3;
	_ =	sdelay $0x2  }
0x34: {  	[tilespmem:s18], [sflag:$0x1] =	stream.indirect_vreg.gather [hbm4b:s2+s3], $0x80, v4, vm0, $0xb8;
	[tilespmem:$0x10200] =	vst v63  }
0x35: {  	_ = 	snop  }
0x36: {  	[tilespmem:s19], [sflag:$0x1] =	stream.indirect_vreg.gather [hbm4b:s2+s3], $0x80, v3, vm0, $0xb8;
	[tilespmem:$0x10200] =	vst v63  }
0x37: {  	v3 =	vld [tilespmem:$0x30];
	_ =	sdelay $0x4  }
0x38: {  	v35 =	vshll.u32 v3, $0x1  }
0x39: {  	v3 =	vand.u32 $0x7, v3;
	v4 =	vand.u32 $0xFFFFFFF0, v35  }
0x3a: {  	v3 =	vor.u32 v3, v4  }
0x3b: {  	v4 =	vperm.xlane v3, v0;
	_ =	sdelay $0x1  }
0x3c: {  	v3 =	vperm.xlane v3, v2;
	v4 =	vadd.s32 v1, v4;
	_ =	sdelay $0x1  }
0x3d: {  	v3 =	vadd.s32 v1, v3;
	_ =	sdelay $0x2  }
0x3e: {  	[tilespmem:s20], [sflag:$0x1] =	stream.indirect_vreg.gather [hbm4b:s2+s3], $0x80, v4, vm0, $0xb8;
	[tilespmem:$0x10200] =	vst v63  }
0x3f: {  	_ = 	snop  }
0x40: {  	[tilespmem:s21], [sflag:$0x1] =	stream.indirect_vreg.gather [hbm4b:s2+s3], $0x80, v3, vm0, $0xb8;
	[tilespmem:$0x10200] =	vst v63  }
0x41: {  	v3 =	vld [tilespmem:$0x40];
	_ =	sdelay $0x4  }
0x42: {  	v36 =	vshll.u32 v3, $0x1  }
0x43: {  	v3 =	vand.u32 $0x7, v3;
	v4 =	vand.u32 $0xFFFFFFF0, v36  }
0x44: {  	v3 =	vor.u32 v3, v4  }
0x45: {  	v4 =	vperm.xlane v3, v0;
	_ =	sdelay $0x1  }
0x46: {  	v3 =	vperm.xlane v3, v2;
	v4 =	vadd.s32 v1, v4;
	_ =	sdelay $0x1  }
0x47: {  	v3 =	vadd.s32 v1, v3;
	_ =	sdelay $0x2  }
0x48: {  	[tilespmem:s23], [sflag:$0x1] =	stream.indirect_vreg.gather [hbm4b:s2+s3], $0x80, v4, vm0, $0xb8;
	[tilespmem:$0x10200] =	vst v63  }
0x49: {  	_ = 	snop  }
0x4a: {  	[tilespmem:s24], [sflag:$0x1] =	stream.indirect_vreg.gather [hbm4b:s2+s3], $0x80, v3, vm0, $0xb8;
	[tilespmem:$0x10200] =	vst v63  }
0x4b: {  	v3 =	vld [tilespmem:$0x50];
	_ =	sdelay $0x4  }
0x4c: {  	v37 =	vshll.u32 v3, $0x1  }
0x4d: {  	v3 =	vand.u32 $0x7, v3;
	v4 =	vand.u32 $0xFFFFFFF0, v37  }
0x4e: {  	v3 =	vor.u32 v3, v4  }
0x4f: {  	v4 =	vperm.xlane v3, v0;
	_ =	sdelay $0x1  }
0x50: {  	v3 =	vperm.xlane v3, v2;
	v4 =	vadd.s32 v1, v4;
	_ =	sdelay $0x1  }
0x51: {  	v3 =	vadd.s32 v1, v3;
	_ =	sdelay $0x2  }
0x52: {  	[tilespmem:s25], [sflag:$0x1] =	stream.indirect_vreg.gather [hbm4b:s2+s3], $0x80, v4, vm0, $0xb8;
	[tilespmem:$0x10200] =	vst v63  }
0x53: {  	_ = 	snop  }
0x54: {  	[tilespmem:s26], [sflag:$0x1] =	stream.indirect_vreg.gather [hbm4b:s2+s3], $0x80, v3, vm0, $0xb8;
	[tilespmem:$0x10200] =	vst v63  }
0x55: {  	v3 =	vld [tilespmem:$0x60];
	_ =	sdelay $0x4  }
0x56: {  	v38 =	vshll.u32 v3, $0x1  }
0x57: {  	v3 =	vand.u32 $0x7, v3;
	v4 =	vand.u32 $0xFFFFFFF0, v38  }
0x58: {  	v3 =	vor.u32 v3, v4  }
0x59: {  	v4 =	vperm.xlane v3, v0;
	_ =	sdelay $0x1  }
0x5a: {  	v3 =	vperm.xlane v3, v2;
	v4 =	vadd.s32 v1, v4;
	_ =	sdelay $0x1  }
0x5b: {  	v3 =	vadd.s32 v1, v3;
	_ =	sdelay $0x2  }
0x5c: {  	[tilespmem:s28], [sflag:$0x1] =	stream.indirect_vreg.gather [hbm4b:s2+s3], $0x80, v4, vm0, $0xb8;
	[tilespmem:$0x10200] =	vst v63  }
0x5d: {  	_ = 	snop  }
0x5e: {  	[tilespmem:s29], [sflag:$0x1] =	stream.indirect_vreg.gather [hbm4b:s2+s3], $0x80, v3, vm0, $0xb8;
	[tilespmem:$0x10200] =	vst v63  }
0x5f: {  	v3 =	vld [tilespmem:$0x70];
	_ =	sdelay $0x4  }
0x60: {  	v39 =	vshll.u32 v3, $0x1  }
0x61: {  	v3 =	vand.u32 $0x7, v3;
	v4 =	vand.u32 $0xFFFFFFF0, v39  }
0x62: {  	v3 =	vor.u32 v3, v4  }
0x63: {  	v4 =	vperm.xlane v3, v0;
	_ =	sdelay $0x1  }
0x64: {  	v3 =	vperm.xlane v3, v2;
	v4 =	vadd.s32 v1, v4;
	_ =	sdelay $0x1  }
0x65: {  	v3 =	vadd.s32 v1, v3;
	_ =	sdelay $0x2  }
0x66: {  	[tilespmem:s30], [sflag:$0x1] =	stream.indirect_vreg.gather [hbm4b:s2+s3], $0x80, v4, vm0, $0xb8;
	[tilespmem:$0x10200] =	vst v63  }
0x67: {  	_ = 	snop  }
0x68: {  	[tilespmem:s31], [sflag:$0x1] =	stream.indirect_vreg.gather [hbm4b:s2+s3], $0x80, v3, vm0, $0xb8;
	[tilespmem:$0x10200] =	vst v63  }
0x69: {  	v3 =	vld [tilespmem:$0x80];
	_ =	sdelay $0x4  }
0x6a: {  	v40 =	vshll.u32 v3, $0x1  }
0x6b: {  	v3 =	vand.u32 $0x7, v3;
	v4 =	vand.u32 $0xFFFFFFF0, v40  }
0x6c: {  	v3 =	vor.u32 v3, v4  }
0x6d: {  	v4 =	vperm.xlane v3, v0;
	_ =	sdelay $0x1  }
0x6e: {  	v3 =	vperm.xlane v3, v2;
	v4 =	vadd.s32 v1, v4;
	_ =	sdelay $0x1  }
0x6f: {  	v3 =	vadd.s32 v1, v3;
	_ =	sdelay $0x1  }
0x70: {  	s0 =	simm.s32 $0x8200  }
0x71: {  	[tilespmem:s0], [sflag:$0x2] =	stream.indirect_vreg.gather [hbm4b:s2+s3], $0x80, v4, vm0, $0xb8;
	[tilespmem:$0x10200] =	vst v63  }
0x72: {  	s6 =	simm.s32 $0x8A00  }
0x73: {  	[tilespmem:s6], [sflag:$0x2] =	stream.indirect_vreg.gather [hbm4b:s2+s3], $0x80, v3, vm0, $0xb8;
	[tilespmem:$0x10200] =	vst v63  }
0x74: {  	v3 =	vld [tilespmem:$0x90];
	_ =	sdelay $0x4  }
0x75: {  	v41 =	vshll.u32 v3, $0x1  }
0x76: {  	v3 =	vand.u32 $0x7, v3;
	v4 =	vand.u32 $0xFFFFFFF0, v41  }
0x77: {  	v3 =	vor.u32 v3, v4  }
0x78: {  	v4 =	vperm.xlane v3, v0;
	_ =	sdelay $0x1  }
0x79: {  	v3 =	vperm.xlane v3, v2;
	v4 =	vadd.s32 v1, v4;
	_ =	sdelay $0x1  }
0x7a: {  	v3 =	vadd.s32 v1, v3;
	_ =	sdelay $0x2  }
0x7b: {  	[tilespmem:s22], [sflag:$0x2] =	stream.indirect_vreg.gather [hbm4b:s2+s3], $0x80, v4, vm0, $0xb8;
	[tilespmem:$0x10200] =	vst v63  }
0x7c: {  	_ = 	snop  }
0x7d: {  	[tilespmem:s7], [sflag:$0x2] =	stream.indirect_vreg.gather [hbm4b:s2+s3], $0x80, v3, vm0, $0xb8;
	[tilespmem:$0x10200] =	vst v63  }
0x7e: {  	v3 =	vld [tilespmem:$0xA0];
	_ =	sdelay $0x4  }
0x7f: {  	v42 =	vshll.u32 v3, $0x1  }
0x80: {  	v3 =	vand.u32 $0x7, v3;
	v4 =	vand.u32 $0xFFFFFFF0, v42  }
0x81: {  	v3 =	vor.u32 v3, v4  }
0x82: {  	v4 =	vperm.xlane v3, v0;
	_ =	sdelay $0x1  }
0x83: {  	v3 =	vperm.xlane v3, v2;
	v4 =	vadd.s32 v1, v4;
	_ =	sdelay $0x1  }
0x84: {  	v3 =	vadd.s32 v1, v3;
	_ =	sdelay $0x2  }
0x85: {  	[tilespmem:s8], [sflag:$0x2] =	stream.indirect_vreg.gather [hbm4b:s2+s3], $0x80, v4, vm0, $0xb8;
	[tilespmem:$0x10200] =	vst v63  }
0x86: {  	_ = 	snop  }
0x87: {  	[tilespmem:s9], [sflag:$0x2] =	stream.indirect_vreg.gather [hbm4b:s2+s3], $0x80, v3, vm0, $0xb8;
	[tilespmem:$0x10200] =	vst v63  }
0x88: {  	v3 =	vld [tilespmem:$0xB0];
	_ =	sdelay $0x4  }
0x89: {  	v43 =	vshll.u32 v3, $0x1  }
0x8a: {  	v3 =	vand.u32 $0x7, v3;
	v4 =	vand.u32 $0xFFFFFFF0, v43  }
0x8b: {  	v3 =	vor.u32 v3, v4  }
0x8c: {  	v4 =	vperm.xlane v3, v0;
	_ =	sdelay $0x1  }
0x8d: {  	v3 =	vperm.xlane v3, v2;
	v4 =	vadd.s32 v1, v4;
	_ =	sdelay $0x1  }
0x8e: {  	v3 =	vadd.s32 v1, v3;
	_ =	sdelay $0x2  }
0x8f: {  	[tilespmem:s10], [sflag:$0x2] =	stream.indirect_vreg.gather [hbm4b:s2+s3], $0x80, v4, vm0, $0xb8;
	[tilespmem:$0x10200] =	vst v63  }
0x90: {  	_ = 	snop  }
0x91: {  	[tilespmem:s11], [sflag:$0x2] =	stream.indirect_vreg.gather [hbm4b:s2+s3], $0x80, v3, vm0, $0xb8;
	[tilespmem:$0x10200] =	vst v63  }
0x92: {  	v3 =	vld [tilespmem:$0xC0];
	_ =	sdelay $0x4  }
0x93: {  	v44 =	vshll.u32 v3, $0x1  }
0x94: {  	v3 =	vand.u32 $0x7, v3;
	v4 =	vand.u32 $0xFFFFFFF0, v44  }
0x95: {  	v3 =	vor.u32 v3, v4  }
0x96: {  	v4 =	vperm.xlane v3, v0;
	_ =	sdelay $0x1  }
0x97: {  	v3 =	vperm.xlane v3, v2;
	v4 =	vadd.s32 v1, v4;
	_ =	sdelay $0x1  }
0x98: {  	v3 =	vadd.s32 v1, v3;
	_ =	sdelay $0x1  }
0x99: {  	s6 =	simm.s32 $0xC200  }
0x9a: {  	[tilespmem:s6], [sflag:$0x2] =	stream.indirect_vreg.gather [hbm4b:s2+s3], $0x80, v4, vm0, $0xb8;
	[tilespmem:$0x10200] =	vst v63  }
0x9b: {  	s12 =	simm.s32 $0xCA00  }
0x9c: {  	[tilespmem:s12], [sflag:$0x2] =	stream.indirect_vreg.gather [hbm4b:s2+s3], $0x80, v3, vm0, $0xb8;
	[tilespmem:$0x10200] =	vst v63  }
0x9d: {  	v3 =	vld [tilespmem:$0xD0];
	_ =	sdelay $0x4  }
0x9e: {  	v45 =	vshll.u32 v3, $0x1  }
0x9f: {  	v3 =	vand.u32 $0x7, v3;
	v4 =	vand.u32 $0xFFFFFFF0, v45  }
0xa0: {  	v3 =	vor.u32 v3, v4  }
0xa1: {  	v4 =	vperm.xlane v3, v0;
	_ =	sdelay $0x1  }
0xa2: {  	v3 =	vperm.xlane v3, v2;
	v4 =	vadd.s32 v1, v4;
	_ =	sdelay $0x1  }
0xa3: {  	v3 =	vadd.s32 v1, v3;
	_ =	sdelay $0x1  }
0xa4: {  	s14 =	simm.s32 $0xD200  }
0xa5: {  	[tilespmem:s14], [sflag:$0x2] =	stream.indirect_vreg.gather [hbm4b:s2+s3], $0x80, v4, vm0, $0xb8;
	[tilespmem:$0x10200] =	vst v63  }
0xa6: {  	s14 =	simm.s32 $0xDA00  }
0xa7: {  	[tilespmem:s14], [sflag:$0x2] =	stream.indirect_vreg.gather [hbm4b:s2+s3], $0x80, v3, vm0, $0xb8;
	[tilespmem:$0x10200] =	vst v63  }
0xa8: {  	v3 =	vld [tilespmem:$0xE0];
	_ =	sdelay $0x4  }
0xa9: {  	v46 =	vshll.u32 v3, $0x1  }
0xaa: {  	v3 =	vand.u32 $0x7, v3;
	v4 =	vand.u32 $0xFFFFFFF0, v46  }
0xab: {  	v3 =	vor.u32 v3, v4  }
0xac: {  	v4 =	vperm.xlane v3, v0;
	_ =	sdelay $0x1  }
0xad: {  	v3 =	vperm.xlane v3, v2;
	v4 =	vadd.s32 v1, v4;
	_ =	sdelay $0x1  }
0xae: {  	v3 =	vadd.s32 v1, v3;
	_ =	sdelay $0x1  }
0xaf: {  	s14 =	simm.s32 $0xE200  }
0xb0: {  	[tilespmem:s14], [sflag:$0x2] =	stream.indirect_vreg.gather [hbm4b:s2+s3], $0x80, v4, vm0, $0xb8;
	[tilespmem:$0x10200] =	vst v63  }
0xb1: {  	s14 =	simm.s32 $0xEA00  }
0xb2: {  	[tilespmem:s14], [sflag:$0x2] =	stream.indirect_vreg.gather [hbm4b:s2+s3], $0x80, v3, vm0, $0xb8;
	[tilespmem:$0x10200] =	vst v63  }
0xb3: {  	v3 =	vld [tilespmem:$0xF0];
	_ =	sdelay $0x4  }
0xb4: {  	v47 =	vshll.u32 v3, $0x1  }
0xb5: {  	v3 =	vand.u32 $0x7, v3;
	v4 =	vand.u32 $0xFFFFFFF0, v47  }
0xb6: {  	v3 =	vor.u32 v3, v4  }
0xb7: {  	v4 =	vperm.xlane v3, v0;
	_ =	sdelay $0x1  }
0xb8: {  	v3 =	vperm.xlane v3, v2;
	v4 =	vadd.s32 v1, v4;
	_ =	sdelay $0x1  }
0xb9: {  	v3 =	vadd.s32 v1, v3;
	_ =	sdelay $0x1  }
0xba: {  	s14 =	simm.s32 $0xF200  }
0xbb: {  	[tilespmem:s14], [sflag:$0x2] =	stream.indirect_vreg.gather [hbm4b:s2+s3], $0x80, v4, vm0, $0xb8;
	[tilespmem:$0x10200] =	vst v63  }
0xbc: {  	s14 =	simm.s32 $0xFA00  }
0xbd: {  	[tilespmem:s14], [sflag:$0x2] =	stream.indirect_vreg.gather [hbm4b:s2+s3], $0x80, v3, vm0, $0xb8;
	[tilespmem:$0x10200] =	vst v63  }
0xbe: {  	_ =	swait.ge [sflag:s1], $0x8000  }
0xbf: {  	[sflag:s1] =	ssyncset.done $0x0  }
0xc0: {  	s12 =	simm.s32 $0x200;
	s14 =	rddreg [dreg:$0x4];
	[sflag:s1] =	ssyncadd.s32 $0xFFFF8000  }
0xc1: {  	[hbm4b:s14+s3] =	stream.linear.scatter [tilespmem:s12], [sflag:$0x3], $0x8000, $0x38;
	[tilespmem:$0x10200] =	vst v63  }
0xc2: {  	_ =	swait.ge [sflag:s5], $0x8000  }
0xc3: {  	[sflag:s5] =	ssyncset.done $0x0  }
0xc4: {  	[sflag:s5] =	ssyncadd.s32 $0xFFFF8000  }
0xc5: {  	v3 =	vld [tilespmem:$0x100];
	_ =	sdelay $0x4  }
0xc6: {  	v48 =	vshll.u32 v3, $0x1  }
0xc7: {  	v3 =	vand.u32 $0x7, v3;
	v4 =	vand.u32 $0xFFFFFFF0, v48  }
0xc8: {  	v3 =	vor.u32 v3, v4  }
0xc9: {  	v4 =	vperm.xlane v3, v0;
	_ =	sdelay $0x1  }
0xca: {  	v3 =	vperm.xlane v3, v2;
	v4 =	vadd.s32 v1, v4;
	_ =	sdelay $0x1  }
0xcb: {  	v3 =	vadd.s32 v1, v3;
	_ =	sdelay $0x2  }
0xcc: {  	[tilespmem:s12], [sflag:$0x1] =	stream.indirect_vreg.gather [hbm4b:s2+s3], $0x80, v4, vm0, $0xb8;
	[tilespmem:$0x10200] =	vst v63  }
0xcd: {  	_ = 	snop  }
0xce: {  	[tilespmem:s15], [sflag:$0x1] =	stream.indirect_vreg.gather [hbm4b:s2+s3], $0x80, v3, vm0, $0xb8;
	[tilespmem:$0x10200] =	vst v63  }
0xcf: {  	v3 =	vld [tilespmem:$0x110];
	_ =	sdelay $0x4  }
0xd0: {  	v49 =	vshll.u32 v3, $0x1  }
0xd1: {  	v3 =	vand.u32 $0x7, v3;
	v4 =	vand.u32 $0xFFFFFFF0, v49  }
0xd2: {  	v3 =	vor.u32 v3, v4  }
0xd3: {  	v4 =	vperm.xlane v3, v0;
	_ =	sdelay $0x1  }
0xd4: {  	v3 =	vperm.xlane v3, v2;
	v4 =	vadd.s32 v1, v4;
	_ =	sdelay $0x1  }
0xd5: {  	v3 =	vadd.s32 v1, v3;
	_ =	sdelay $0x2  }
0xd6: {  	[tilespmem:s16], [sflag:$0x1] =	stream.indirect_vreg.gather [hbm4b:s2+s3], $0x80, v4, vm0, $0xb8;
	[tilespmem:$0x10200] =	vst v63  }
0xd7: {  	_ = 	snop  }
0xd8: {  	[tilespmem:s17], [sflag:$0x1] =	stream.indirect_vreg.gather [hbm4b:s2+s3], $0x80, v3, vm0, $0xb8;
	[tilespmem:$0x10200] =	vst v63  }
0xd9: {  	v3 =	vld [tilespmem:$0x120];
	_ =	sdelay $0x4  }
0xda: {  	v50 =	vshll.u32 v3, $0x1  }
0xdb: {  	v3 =	vand.u32 $0x7, v3;
	v4 =	vand.u32 $0xFFFFFFF0, v50  }
0xdc: {  	v3 =	vor.u32 v3, v4  }
0xdd: {  	v4 =	vperm.xlane v3, v0;
	_ =	sdelay $0x1  }
0xde: {  	v3 =	vperm.xlane v3, v2;
	v4 =	vadd.s32 v1, v4;
	_ =	sdelay $0x1  }
0xdf: {  	v3 =	vadd.s32 v1, v3;
	_ =	sdelay $0x2  }
0xe0: {  	[tilespmem:s18], [sflag:$0x1] =	stream.indirect_vreg.gather [hbm4b:s2+s3], $0x80, v4, vm0, $0xb8;
	[tilespmem:$0x10200] =	vst v63  }
0xe1: {  	_ = 	snop  }
0xe2: {  	[tilespmem:s19], [sflag:$0x1] =	stream.indirect_vreg.gather [hbm4b:s2+s3], $0x80, v3, vm0, $0xb8;
	[tilespmem:$0x10200] =	vst v63  }
0xe3: {  	v3 =	vld [tilespmem:$0x130];
	_ =	sdelay $0x4  }
0xe4: {  	v51 =	vshll.u32 v3, $0x1  }
0xe5: {  	v3 =	vand.u32 $0x7, v3;
	v4 =	vand.u32 $0xFFFFFFF0, v51  }
0xe6: {  	v3 =	vor.u32 v3, v4  }
0xe7: {  	v4 =	vperm.xlane v3, v0;
	_ =	sdelay $0x1  }
0xe8: {  	v3 =	vperm.xlane v3, v2;
	v4 =	vadd.s32 v1, v4;
	_ =	sdelay $0x1  }
0xe9: {  	v3 =	vadd.s32 v1, v3;
	_ =	sdelay $0x2  }
0xea: {  	[tilespmem:s20], [sflag:$0x1] =	stream.indirect_vreg.gather [hbm4b:s2+s3], $0x80, v4, vm0, $0xb8;
	[tilespmem:$0x10200] =	vst v63  }
0xeb: {  	_ = 	snop  }
0xec: {  	[tilespmem:s21], [sflag:$0x1] =	stream.indirect_vreg.gather [hbm4b:s2+s3], $0x80, v3, vm0, $0xb8;
	[tilespmem:$0x10200] =	vst v63  }
0xed: {  	v3 =	vld [tilespmem:$0x140];
	_ =	sdelay $0x4  }
0xee: {  	v52 =	vshll.u32 v3, $0x1  }
0xef: {  	v3 =	vand.u32 $0x7, v3;
	v4 =	vand.u32 $0xFFFFFFF0, v52  }
0xf0: {  	v3 =	vor.u32 v3, v4  }
0xf1: {  	v4 =	vperm.xlane v3, v0;
	_ =	sdelay $0x1  }
0xf2: {  	v3 =	vperm.xlane v3, v2;
	v4 =	vadd.s32 v1, v4;
	_ =	sdelay $0x1  }
0xf3: {  	v3 =	vadd.s32 v1, v3;
	_ =	sdelay $0x2  }
0xf4: {  	[tilespmem:s23], [sflag:$0x1] =	stream.indirect_vreg.gather [hbm4b:s2+s3], $0x80, v4, vm0, $0xb8;
	[tilespmem:$0x10200] =	vst v63  }
0xf5: {  	_ = 	snop  }
0xf6: {  	[tilespmem:s24], [sflag:$0x1] =	stream.indirect_vreg.gather [hbm4b:s2+s3], $0x80, v3, vm0, $0xb8;
	[tilespmem:$0x10200] =	vst v63  }
0xf7: {  	v3 =	vld [tilespmem:$0x150];
	_ =	sdelay $0x4  }
0xf8: {  	v53 =	vshll.u32 v3, $0x1  }
0xf9: {  	v3 =	vand.u32 $0x7, v3;
	v4 =	vand.u32 $0xFFFFFFF0, v53  }
0xfa: {  	v3 =	vor.u32 v3, v4  }
0xfb: {  	v4 =	vperm.xlane v3, v0;
	_ =	sdelay $0x1  }
0xfc: {  	v3 =	vperm.xlane v3, v2;
	v4 =	vadd.s32 v1, v4;
	_ =	sdelay $0x1  }
0xfd: {  	v3 =	vadd.s32 v1, v3;
	_ =	sdelay $0x2  }
0xfe: {  	[tilespmem:s25], [sflag:$0x1] =	stream.indirect_vreg.gather [hbm4b:s2+s3], $0x80, v4, vm0, $0xb8;
	[tilespmem:$0x10200] =	vst v63  }
0xff: {  	_ = 	snop  }
0x100: {  	[tilespmem:s26], [sflag:$0x1] =	stream.indirect_vreg.gather [hbm4b:s2+s3], $0x80, v3, vm0, $0xb8;
	[tilespmem:$0x10200] =	vst v63  }
0x101: {  	v3 =	vld [tilespmem:$0x160];
	_ =	sdelay $0x4  }
0x102: {  	v54 =	vshll.u32 v3, $0x1  }
0x103: {  	v3 =	vand.u32 $0x7, v3;
	v4 =	vand.u32 $0xFFFFFFF0, v54  }
0x104: {  	v3 =	vor.u32 v3, v4  }
0x105: {  	v4 =	vperm.xlane v3, v0;
	_ =	sdelay $0x1  }
0x106: {  	v3 =	vperm.xlane v3, v2;
	v4 =	vadd.s32 v1, v4;
	_ =	sdelay $0x1  }
0x107: {  	v3 =	vadd.s32 v1, v3;
	_ =	sdelay $0x2  }
0x108: {  	[tilespmem:s28], [sflag:$0x1] =	stream.indirect_vreg.gather [hbm4b:s2+s3], $0x80, v4, vm0, $0xb8;
	[tilespmem:$0x10200] =	vst v63  }
0x109: {  	_ = 	snop  }
0x10a: {  	[tilespmem:s29], [sflag:$0x1] =	stream.indirect_vreg.gather [hbm4b:s2+s3], $0x80, v3, vm0, $0xb8;
	[tilespmem:$0x10200] =	vst v63  }
0x10b: {  	v3 =	vld [tilespmem:$0x170];
	_ =	sdelay $0x4  }
0x10c: {  	v55 =	vshll.u32 v3, $0x1  }
0x10d: {  	v3 =	vand.u32 $0x7, v3;
	v4 =	vand.u32 $0xFFFFFFF0, v55  }
0x10e: {  	v3 =	vor.u32 v3, v4  }
0x10f: {  	v4 =	vperm.xlane v3, v0;
	_ =	sdelay $0x1  }
0x110: {  	v3 =	vperm.xlane v3, v2;
	v4 =	vadd.s32 v1, v4;
	_ =	sdelay $0x1  }
0x111: {  	v3 =	vadd.s32 v1, v3;
	_ =	sdelay $0x2  }
0x112: {  	[tilespmem:s30], [sflag:$0x1] =	stream.indirect_vreg.gather [hbm4b:s2+s3], $0x80, v4, vm0, $0xb8;
	[tilespmem:$0x10200] =	vst v63  }
0x113: {  	_ = 	snop  }
0x114: {  	[tilespmem:s31], [sflag:$0x1] =	stream.indirect_vreg.gather [hbm4b:s2+s3], $0x80, v3, vm0, $0xb8;
	[tilespmem:$0x10200] =	vst v63  }
0x115: {  	_ =	swait.ge [sflag:s13], $0x8000  }
0x116: {  	[sflag:s13] =	ssyncset.done $0x0  }
0x117: {  	s12 =	rddreg [dreg:$0x5];
	[sflag:s13] =	ssyncadd.s32 $0xFFFF8000  }
0x118: {  	[hbm4b:s12+s3] =	stream.linear.scatter [tilespmem:s0], [sflag:$0x3], $0x8000, $0x38;
	[tilespmem:$0x10200] =	vst v63  }
0x119: {  	_ =	swait.ge [sflag:s5], $0x8000  }
0x11a: {  	[sflag:s5] =	ssyncset.done $0x0  }
0x11b: {  	[sflag:s5] =	ssyncadd.s32 $0xFFFF8000  }
0x11c: {  	v3 =	vld [tilespmem:$0x180];
	_ =	sdelay $0x4  }
0x11d: {  	v56 =	vshll.u32 v3, $0x1  }
0x11e: {  	v3 =	vand.u32 $0x7, v3;
	v4 =	vand.u32 $0xFFFFFFF0, v56  }
0x11f: {  	v3 =	vor.u32 v3, v4  }
0x120: {  	v4 =	vperm.xlane v3, v0;
	_ =	sdelay $0x1  }
0x121: {  	v3 =	vperm.xlane v3, v2;
	v4 =	vadd.s32 v1, v4;
	_ =	sdelay $0x1  }
0x122: {  	v3 =	vadd.s32 v1, v3;
	_ =	sdelay $0x2  }
0x123: {  	[tilespmem:s0], [sflag:$0x2] =	stream.indirect_vreg.gather [hbm4b:s2+s3], $0x80, v4, vm0, $0xb8;
	[tilespmem:$0x10200] =	vst v63  }
0x124: {  	s14 =	simm.s32 $0x8A00  }
0x125: {  	[tilespmem:s14], [sflag:$0x2] =	stream.indirect_vreg.gather [hbm4b:s2+s3], $0x80, v3, vm0, $0xb8;
	[tilespmem:$0x10200] =	vst v63  }
0x126: {  	v3 =	vld [tilespmem:$0x190];
	_ =	sdelay $0x4  }
0x127: {  	v57 =	vshll.u32 v3, $0x1  }
0x128: {  	v3 =	vand.u32 $0x7, v3;
	v4 =	vand.u32 $0xFFFFFFF0, v57  }
0x129: {  	v3 =	vor.u32 v3, v4  }
0x12a: {  	v4 =	vperm.xlane v3, v0;
	_ =	sdelay $0x1  }
0x12b: {  	v3 =	vperm.xlane v3, v2;
	v4 =	vadd.s32 v1, v4;
	_ =	sdelay $0x1  }
0x12c: {  	v3 =	vadd.s32 v1, v3;
	_ =	sdelay $0x2  }
0x12d: {  	[tilespmem:s22], [sflag:$0x2] =	stream.indirect_vreg.gather [hbm4b:s2+s3], $0x80, v4, vm0, $0xb8;
	[tilespmem:$0x10200] =	vst v63  }
0x12e: {  	_ = 	snop  }
0x12f: {  	[tilespmem:s7], [sflag:$0x2] =	stream.indirect_vreg.gather [hbm4b:s2+s3], $0x80, v3, vm0, $0xb8;
	[tilespmem:$0x10200] =	vst v63  }
0x130: {  	v3 =	vld [tilespmem:$0x1A0];
	_ =	sdelay $0x4  }
0x131: {  	v58 =	vshll.u32 v3, $0x1  }
0x132: {  	v3 =	vand.u32 $0x7, v3;
	v4 =	vand.u32 $0xFFFFFFF0, v58  }
0x133: {  	v3 =	vor.u32 v3, v4  }
0x134: {  	v4 =	vperm.xlane v3, v0;
	_ =	sdelay $0x1  }
0x135: {  	v3 =	vperm.xlane v3, v2;
	v4 =	vadd.s32 v1, v4;
	_ =	sdelay $0x1  }
0x136: {  	v3 =	vadd.s32 v1, v3;
	_ =	sdelay $0x2  }
0x137: {  	[tilespmem:s8], [sflag:$0x2] =	stream.indirect_vreg.gather [hbm4b:s2+s3], $0x80, v4, vm0, $0xb8;
	[tilespmem:$0x10200] =	vst v63  }
0x138: {  	_ = 	snop  }
0x139: {  	[tilespmem:s9], [sflag:$0x2] =	stream.indirect_vreg.gather [hbm4b:s2+s3], $0x80, v3, vm0, $0xb8;
	[tilespmem:$0x10200] =	vst v63  }
0x13a: {  	v3 =	vld [tilespmem:$0x1B0];
	_ =	sdelay $0x4  }
0x13b: {  	v59 =	vshll.u32 v3, $0x1  }
0x13c: {  	v3 =	vand.u32 $0x7, v3;
	v4 =	vand.u32 $0xFFFFFFF0, v59  }
0x13d: {  	v3 =	vor.u32 v3, v4  }
0x13e: {  	v4 =	vperm.xlane v3, v0;
	_ =	sdelay $0x1  }
0x13f: {  	v3 =	vperm.xlane v3, v2;
	v4 =	vadd.s32 v1, v4;
	_ =	sdelay $0x1  }
0x140: {  	v3 =	vadd.s32 v1, v3;
	_ =	sdelay $0x2  }
0x141: {  	[tilespmem:s10], [sflag:$0x2] =	stream.indirect_vreg.gather [hbm4b:s2+s3], $0x80, v4, vm0, $0xb8;
	[tilespmem:$0x10200] =	vst v63  }
0x142: {  	_ = 	snop  }
0x143: {  	[tilespmem:s11], [sflag:$0x2] =	stream.indirect_vreg.gather [hbm4b:s2+s3], $0x80, v3, vm0, $0xb8;
	[tilespmem:$0x10200] =	vst v63  }
0x144: {  	v3 =	vld [tilespmem:$0x1C0];
	_ =	sdelay $0x4  }
0x145: {  	v60 =	vshll.u32 v3, $0x1  }
0x146: {  	v3 =	vand.u32 $0x7, v3;
	v4 =	vand.u32 $0xFFFFFFF0, v60  }
0x147: {  	v3 =	vor.u32 v3, v4  }
0x148: {  	v4 =	vperm.xlane v3, v0;
	_ =	sdelay $0x1  }
0x149: {  	v3 =	vperm.xlane v3, v2;
	v4 =	vadd.s32 v1, v4;
	_ =	sdelay $0x1  }
0x14a: {  	v3 =	vadd.s32 v1, v3;
	_ =	sdelay $0x2  }
0x14b: {  	[tilespmem:s6], [sflag:$0x2] =	stream.indirect_vreg.gather [hbm4b:s2+s3], $0x80, v4, vm0, $0xb8;
	[tilespmem:$0x10200] =	vst v63  }
0x14c: {  	s14 =	simm.s32 $0xCA00  }
0x14d: {  	[tilespmem:s14], [sflag:$0x2] =	stream.indirect_vreg.gather [hbm4b:s2+s3], $0x80, v3, vm0, $0xb8;
	[tilespmem:$0x10200] =	vst v63  }
0x14e: {  	v3 =	vld [tilespmem:$0x1D0];
	_ =	sdelay $0x4  }
0x14f: {  	v61 =	vshll.u32 v3, $0x1  }
0x150: {  	v3 =	vand.u32 $0x7, v3;
	v4 =	vand.u32 $0xFFFFFFF0, v61  }
0x151: {  	v3 =	vor.u32 v3, v4  }
0x152: {  	v4 =	vperm.xlane v3, v0;
	_ =	sdelay $0x1  }
0x153: {  	v3 =	vperm.xlane v3, v2;
	v4 =	vadd.s32 v1, v4;
	_ =	sdelay $0x1  }
0x154: {  	v3 =	vadd.s32 v1, v3;
	_ =	sdelay $0x1  }
0x155: {  	s12 =	simm.s32 $0xD200  }
0x156: {  	[tilespmem:s12], [sflag:$0x2] =	stream.indirect_vreg.gather [hbm4b:s2+s3], $0x80, v4, vm0, $0xb8;
	[tilespmem:$0x10200] =	vst v63  }
0x157: {  	s14 =	simm.s32 $0xDA00  }
0x158: {  	[tilespmem:s14], [sflag:$0x2] =	stream.indirect_vreg.gather [hbm4b:s2+s3], $0x80, v3, vm0, $0xb8;
	[tilespmem:$0x10200] =	vst v63  }
0x159: {  	v3 =	vld [tilespmem:$0x1E0];
	_ =	sdelay $0x4  }
0x15a: {  	v62 =	vshll.u32 v3, $0x1  }
0x15b: {  	v3 =	vand.u32 $0x7, v3;
	v4 =	vand.u32 $0xFFFFFFF0, v62  }
0x15c: {  	v3 =	vor.u32 v3, v4  }
0x15d: {  	v4 =	vperm.xlane v3, v0;
	_ =	sdelay $0x1  }
0x15e: {  	v3 =	vperm.xlane v3, v2;
	v4 =	vadd.s32 v1, v4;
	_ =	sdelay $0x1  }
0x15f: {  	v3 =	vadd.s32 v1, v3;
	_ =	sdelay $0x1  }
0x160: {  	s12 =	simm.s32 $0xE200  }
0x161: {  	[tilespmem:s12], [sflag:$0x2] =	stream.indirect_vreg.gather [hbm4b:s2+s3], $0x80, v4, vm0, $0xb8;
	[tilespmem:$0x10200] =	vst v63  }
0x162: {  	s14 =	simm.s32 $0xEA00  }
0x163: {  	[tilespmem:s14], [sflag:$0x2] =	stream.indirect_vreg.gather [hbm4b:s2+s3], $0x80, v3, vm0, $0xb8;
	[tilespmem:$0x10200] =	vst v63  }
0x164: {  	v3 =	vld [tilespmem:$0x1F0];
	_ =	sdelay $0x4  }
0x165: {  	v63 =	vshll.u32 v3, $0x1  }
0x166: {  	v3 =	vand.u32 $0x7, v3;
	v4 =	vand.u32 $0xFFFFFFF0, v63  }
0x167: {  	v3 =	vor.u32 v3, v4  }
0x168: {  	v4 =	vperm.xlane v3, v0;
	_ =	sdelay $0x1  }
0x169: {  	v3 =	vperm.xlane v3, v2;
	v4 =	vadd.s32 v1, v4;
	_ =	sdelay $0x1  }
0x16a: {  	v3 =	vadd.s32 v1, v3;
	_ =	sdelay $0x1  }
0x16b: {  	s12 =	simm.s32 $0xF200  }
0x16c: {  	[tilespmem:s12], [sflag:$0x2] =	stream.indirect_vreg.gather [hbm4b:s2+s3], $0x80, v4, vm0, $0xb8;
	[tilespmem:$0x10200] =	vst v63  }
0x16d: {  	s14 =	simm.s32 $0xFA00  }
0x16e: {  	[tilespmem:s14], [sflag:$0x2] =	stream.indirect_vreg.gather [hbm4b:s2+s3], $0x80, v3, vm0, $0xb8;
	[tilespmem:$0x10200] =	vst v63  }
0x16f: {  	_ =	swait.ge [sflag:s1], $0x8000  }
0x170: {  	[sflag:s1] =	ssyncset.done $0x0  }
0x171: {  	s12 =	simm.s32 $0x200;
	s6 =	rddreg [dreg:$0x6];
	[sflag:s1] =	ssyncadd.s32 $0xFFFF8000  }
0x172: {  	[hbm4b:s6+s3] =	stream.linear.scatter [tilespmem:s12], [sflag:$0x3], $0x8000, $0x38;
	[tilespmem:$0x10200] =	vst v63  }
0x173: {  	_ =	swait.ge [sflag:s5], $0x8000  }
0x174: {  	[sflag:s5] =	ssyncset.done $0x0  }
0x175: {  	[sflag:s5] =	ssyncadd.s32 $0xFFFF8000  }
0x176: {  	_ =	swait.ge [sflag:s13], $0x8000  }
0x177: {  	p0 =	sne.s32 s4, $0x1;
	[sflag:s13] =	ssyncset.done $0x0  }
.Ltmp0:
0x178: {  	s12 =	rddreg [dreg:$0x7];
	[sflag:s13] =	ssyncadd.s32 $0xFFFF8000;
	(pc) =	sbr.rel @p0 .LBB2_1-.Ltmp0, $4  }
0x179: {  	[hbm4b:s12+s3] =	stream.linear.scatter [tilespmem:s0], [sflag:$0x3], $0x8000, $0x38;
	[tilespmem:$0x10200] =	vst v63  }
0x17a: {  	_ =	swait.ge [sflag:s5], $0x8000  }
0x17b: {  	[sflag:s5] =	ssyncset.done $0x0  }
0x17c: {  	s4 =	sadd.s32 $0xFFFFFFFF, s4;
	[sflag:s5] =	ssyncadd.s32 $0xFFFF8000  }
0x17d: {  	_ =	sfence.sel $0x180000  }
0x17e: {  	[bflag:$0x0] =	sbarrier.arrive $0xFFFF  }
0x17f: {  	_ =	strace $0x90000047  }
0x180: {  	s0 =	stileid.u32;
	[bflag:$0x2] =	sbarrier.arrive $0xFFFF  }
0x181: {  	p0 =	sne.s32 s0, $0x0;
	s0 =	rddreg [dreg:$0x2]  }
0x182: {  	s0 =	sadd.s32 @!p0 $0x100000, s0  }
0x183: {  	[sflag:s0] =	ssyncadd.tile.s32 @!p0 $0x1;
	_ =	shalt  }
.Lfunc_end2:
_tile_overlayer_lowered:
.L_overlay_start_2:
0x184: {  	(tag) =	ssettag $0x2  }
0x185: {  	s0 =	rddreg [dreg:$0x0];
	s2 =	stileid.u32  }
0x186: {  	s1 =	rddreg [dreg:$0x1];
	p0 =	sne.s32 s2, $0x0  }
0x187: {  	s3 =	rddreg [dreg:$0x2];
	[bflag:$0x3] =	sbarrier.arrive $0xFFFF;
	s2 =	simm.s32 @!p0 $0x1C03  }
0x188: {  	[timem:s3], [sflag:s2] =	dma.local @!p0 [hbm:s0], s1  }
0x189: {  	s0 =	simm.s32 @!p0 $0x3  }
0x18a: {  	_ =	swait.ge @!p0 [sflag:s0], s1  }
0x18b: {  	s1 =	ssub.s32 @!p0 $0x0, s1;
	[sflag:s0] =	ssyncset.done @!p0 $0x0  }
0x18c: {  	[sflag:s0] =	ssyncadd.s32 @!p0 s1  }
0x18d: {  	[bflag:$0x3] =	sbarrier.arrive $0xFFFF  }
0x18e: {  	_ =	shalt  }

</sc_bundles>
